<compile_context>
chip_gen: v7x
topology: tpu7x:2x2x1
jax: 0.10.2.dev20260603
libtpu: 0.0.44.dev20260713+nightly
codegen_flags: <defaults>
</compile_context>

<pallas_src>
import functools
import math

import jax
import jax.numpy as jnp
import numpy as np
from jax import lax
from jax.experimental import pallas as pl
from jax.experimental.pallas import tpu as pltpu
from jax.experimental.pallas import tpu_sc as plsc

_B, _S, _V = 4, 512, 32000
_N = _B * _S
_LS = 0.1
_PAD = 0
_TRG_FACTOR = 1.0 - _LS

_U = float(np.float32(_LS / (_V - 2)))
_C1 = float(np.float32(_U) * np.float32(np.log(np.float32(_U))))

_BR = 256
_BV = 6400

_NC, _NS = 2, 16
_NW = _NC * _NS
_RPW = _N // _NW
_L = 16


def _xlogx(d):
    safe = jnp.where(d > 0, d, 1.0)
    return d * jnp.log(safe)


def _fix_body(trg_ref, bt_ref, off_ref, f_ref):
    t = trg_ref[...]
    bt = bt_ref[...]
    off = off_ref[...]

    a = _TRG_FACTOR * (1.0 - off)
    o = off * _TRG_FACTOR
    live = t != _PAD

    d_b = jnp.where(live, _U + o, 0.0)
    d_t = jnp.where(live, a + jnp.where(bt == t, o, 0.0), 0.0)
    d_0 = jnp.where(live & (bt == _PAD), o, 0.0)
    z = jnp.zeros_like(off)
    f_ref[...] = jnp.concatenate(
        [d_b, _xlogx(d_b), d_t, _xlogx(d_t), d_0, _xlogx(d_0), z, z], axis=0
    )


def _fix_table(trg_row, bt_row, off_row):
    return pl.pallas_call(
        _fix_body,
        in_specs=[pl.BlockSpec((1, _N), lambda: (0, 0))] * 3,
        out_specs=pl.BlockSpec((8, _N), lambda: (0, 0)),
        out_shape=jax.ShapeDtypeStruct((8, _N), jnp.float32),
    )(trg_row, bt_row, off_row)


def _sc_body(trg_hbm, bt_hbm, f_hbm, pred_hbm, v_hbm,
             t_v, bt_v, db_v, gb_v, dt_v, gt_v, d0_v, g0_v,
             ib_v, it_v, i0_v, pb_v, pt_v, p0_v, vb_v, vt_v, v0_v, sem):
    wid = lax.axis_index("s") * _NC + lax.axis_index("c")
    base = wid * _RPW

    pltpu.sync_copy(trg_hbm.at[pl.ds(base, _RPW)], t_v)
    pltpu.sync_copy(bt_hbm.at[pl.ds(base, _RPW)], bt_v)
    pltpu.sync_copy(f_hbm.at[0, pl.ds(base, _RPW)], db_v)
    pltpu.sync_copy(f_hbm.at[1, pl.ds(base, _RPW)], gb_v)
    pltpu.sync_copy(f_hbm.at[2, pl.ds(base, _RPW)], dt_v)
    pltpu.sync_copy(f_hbm.at[3, pl.ds(base, _RPW)], gt_v)
    pltpu.sync_copy(f_hbm.at[4, pl.ds(base, _RPW)], d0_v)
    pltpu.sync_copy(f_hbm.at[5, pl.ds(base, _RPW)], g0_v)

    for k in range(_RPW // _L):
        sl = pl.ds(k * _L, _L)
        rowbase = (base + k * _L + lax.iota(jnp.int32, _L)) * _V
        i0_v[sl] = rowbase
        it_v[sl] = rowbase + t_v[sl]
        ib_v[sl] = rowbase + bt_v[sl]

    pltpu.async_copy(pred_hbm.at[ib_v], pb_v, sem).wait()
    pltpu.async_copy(pred_hbm.at[it_v], pt_v, sem).wait()
    pltpu.async_copy(pred_hbm.at[i0_v], p0_v, sem).wait()

    for k in range(_RPW // _L):
        sl = pl.ds(k * _L, _L)
        vb_v[sl] = gb_v[sl] - db_v[sl] * pb_v[sl]
        vt_v[sl] = gt_v[sl] - dt_v[sl] * pt_v[sl]
        v0_v[sl] = g0_v[sl] - d0_v[sl] * p0_v[sl]

    pltpu.sync_copy(vb_v, v_hbm.at[0, pl.ds(base, _RPW)])
    pltpu.sync_copy(vt_v, v_hbm.at[1, pl.ds(base, _RPW)])
    pltpu.sync_copy(v0_v, v_hbm.at[2, pl.ds(base, _RPW)])


def _sc_values(trg_flat, bt_flat, ftab, pred_flat):
    mesh = plsc.VectorSubcoreMesh(core_axis_name="c", subcore_axis_name="s")
    f = functools.partial(
        pl.kernel,
        mesh=mesh,
        out_type=jax.ShapeDtypeStruct((3, _N), jnp.float32),
        scratch_types=[
            pltpu.VMEM((_RPW,), jnp.int32),
            pltpu.VMEM((_RPW,), jnp.int32),
        ] + [pltpu.VMEM((_RPW,), jnp.float32)] * 6
          + [pltpu.VMEM((_RPW,), jnp.int32)] * 3
          + [pltpu.VMEM((_RPW,), jnp.float32)] * 6
          + [pltpu.SemaphoreType.DMA],
    )(_sc_body)
    return f(trg_flat, bt_flat, ftab, pred_flat)


def _stream_body(trg_ref, bt_ref, vb_ref, vt_ref, v0_ref, pred_ref, out_ref):
    j = pl.program_id(1)
    t = trg_ref[...]
    bt = bt_ref[...]
    vb = vb_ref[...]
    vt = vt_ref[...]
    v0 = v0_ref[...]

    live = t != _PAD
    c1r = jnp.where(live, _C1, 0.0)
    ur = jnp.where(live, _U, 0.0)

    p = pred_ref[...]
    col = jax.lax.broadcasted_iota(jnp.int32, p.shape, 1) + j * _BV

    out = c1r - ur * p
    out = jnp.where(col == bt, vb, out)
    out = jnp.where(col == t, vt, out)
    out = jnp.where(col == _PAD, v0, out)
    out_ref[...] = out


def _stream(trg_col, bt_col, vb, vt, v0, pred2):
    grid = (_N // _BR, _V // _BV)
    row_spec = pl.BlockSpec((_BR, 1), lambda i, j: (i, 0))
    return pl.pallas_call(
        _stream_body,
        grid=grid,
        in_specs=[row_spec] * 5 + [pl.BlockSpec((_BR, _BV), lambda i, j: (i, j))],
        out_specs=pl.BlockSpec((_BR, _BV), lambda i, j: (i, j)),
        out_shape=jax.ShapeDtypeStruct((_N, _V), jnp.float32),
        compiler_params=pltpu.CompilerParams(
            dimension_semantics=("parallel", "parallel"),
        ),
    )(trg_col, bt_col, vb, vt, v0, pred2)


@jax.jit
def kernel(pred, trg, biased_trg, biased_offset):
    pred2 = pred.reshape(_N, _V)
    trg_row = trg.reshape(1, _N)
    bt_row = biased_trg.reshape(1, _N)
    off_row = biased_offset.reshape(1, _N)

    ftab = _fix_table(trg_row, bt_row, off_row)
    vals = _sc_values(
        trg.reshape(_N), biased_trg.reshape(_N), ftab, pred.reshape(_N * _V)
    )
    vb = vals[0].reshape(_N, 1)
    vt = vals[1].reshape(_N, 1)
    v0 = vals[2].reshape(_N, 1)
    return _stream(
        trg.reshape(_N, 1), biased_trg.reshape(_N, 1), vb, vt, v0, pred2
    )

# --- scband reference (transcript-rebuilt; emitter-appended) ---
"""Pipeline reference for scband-biased-kl-25795573580352 (READ-ONLY COPY).

The authoritative reference and input builder live on the scoring server;
editing this copy changes nothing except your own understanding.
"""

import jax, jax.numpy as jnp
import numpy as np
from jax.scipy.special import xlogy

B, S, V = 4, 512, 32000
LS = 0.1
PAD_IDX = 0
TRG_FACTOR = 1.0 - LS


def setup_inputs(seed: int = 0) -> dict:
    key = jax.random.key(seed)
    k1, k2, k3, k4 = jax.random.split(key, 4)
    pred = jax.random.normal(k1, (B, S, V), dtype=jnp.float32)
    trg = jax.random.randint(k2, (B, S), 0, V, dtype=jnp.int32)
    biased_trg = jax.random.randint(k3, (B, S), 0, V, dtype=jnp.int32)
    biased_offset = jax.random.uniform(k4, (B, S), dtype=jnp.float32)
    return {"pred": pred, "trg": trg, "biased_trg": biased_trg, "biased_offset": biased_offset}


def reference(pred, trg, biased_trg, biased_offset):
    Bv, Sv, Vv = pred.shape
    N = Bv * Sv
    trg_ampl = (TRG_FACTOR * (1.0 - biased_offset)).reshape(-1)
    normed_offset = (biased_offset * TRG_FACTOR).reshape(-1)
    rows = jnp.arange(N)
    # biased_dist: scatter normed_offset at biased_trg along vocab dim
    biased_dist = jnp.zeros((N, Vv), dtype=pred.dtype)
    biased_dist = biased_dist.at[rows, biased_trg.reshape(-1)].set(normed_offset)
    prediction = pred.reshape(-1, Vv)
    target = trg.reshape(-1)
    dist = (LS / (Vv - 2)) * jnp.ones_like(prediction)
    dist = dist.at[rows, target].set(trg_ampl)
    dist = dist.at[:, PAD_IDX].set(0.0)
    dist = dist + biased_dist
    # zero out rows where target == pad_idx
    dist = jnp.where((target == PAD_IDX)[:, None], 0.0, dist)
    # KLDivLoss(reduction='none'): target * (log(target) - input), with 0*log(0)=0
    divergence = xlogy(dist, dist) - dist * prediction
    return divergence

if __name__ == "__main__":
    import jax
    _d = setup_inputs()
    print(jax.jit(kernel)(*tuple(_d.values())))

</pallas_src>

<mosaic_0001>
#map = affine_map<(d0, d1) -> (0)>
#map1 = affine_map<(d0, d1) -> (0, 0)>
module attributes {stable_mosaic.version = 14 : i64} {
  func.func @_sc_body(%arg0: i32, %arg1: i32, %arg2: memref<2048xi32, #tpu.memory_space<hbm>>, %arg3: memref<2048xi32, #tpu.memory_space<hbm>>, %arg4: memref<8x2048xf32, #tpu.memory_space<hbm>>, %arg5: memref<65536000xf32, #tpu.memory_space<hbm>>, %arg6: memref<3x2048xf32, #tpu.memory_space<hbm>>, %arg7: memref<64xi32, #tpu.memory_space<vmem>>, %arg8: memref<64xi32, #tpu.memory_space<vmem>>, %arg9: memref<64xf32, #tpu.memory_space<vmem>>, %arg10: memref<64xf32, #tpu.memory_space<vmem>>, %arg11: memref<64xf32, #tpu.memory_space<vmem>>, %arg12: memref<64xf32, #tpu.memory_space<vmem>>, %arg13: memref<64xf32, #tpu.memory_space<vmem>>, %arg14: memref<64xf32, #tpu.memory_space<vmem>>, %arg15: memref<64xi32, #tpu.memory_space<vmem>>, %arg16: memref<64xi32, #tpu.memory_space<vmem>>, %arg17: memref<64xi32, #tpu.memory_space<vmem>>, %arg18: memref<64xf32, #tpu.memory_space<vmem>>, %arg19: memref<64xf32, #tpu.memory_space<vmem>>, %arg20: memref<64xf32, #tpu.memory_space<vmem>>, %arg21: memref<64xf32, #tpu.memory_space<vmem>>, %arg22: memref<64xf32, #tpu.memory_space<vmem>>, %arg23: memref<64xf32, #tpu.memory_space<vmem>>, %arg24: memref<!tpu.dma_semaphore, #tpu.memory_space<semaphore_mem>>) attributes {dimension_semantics = [#tpu.dimension_semantics<core_parallel>, #tpu.dimension_semantics<subcore_parallel>], iteration_bounds = array<i64: 2, 16>, scalar_prefetch = 0 : i64, scratch_operands = 18 : i64, tpu.core_type = #tpu.core_type<sc_vector_subcore>, window_params = [{transform_indices = #map}, {transform_indices = #map}, {transform_indices = #map1}, {transform_indices = #map}, {transform_indices = #map1}]} {
    %mul3A = arith.constant 2 : i32
    %mul3A_0 = arith.muli %arg1, %mul3A : i32
    %add3A = arith.addi %mul3A_0, %arg0 : i32
    %mul3A_1 = arith.constant 64 : i32
    %mul3A_2 = arith.muli %add3A, %mul3A_1 : i32
    "tpu.region"() ({
      %run_scoped3A_309 = tpu.sem_alloc : memref<!tpu.dma_semaphore, #tpu.memory_space<semaphore_mem>>
      %dma_start3A_310 = tpu.memref_slice %arg2[%mul3A_2] : memref<2048xi32, #tpu.memory_space<hbm>> -> memref<64xi32, #tpu.memory_space<hbm>>
      %dma_start3A_311 = tpu.memref_slice %arg2[%mul3A_2] : memref<2048xi32, #tpu.memory_space<hbm>> -> memref<64xi32, #tpu.memory_space<hbm>>
      tpu.enqueue_dma source(%dma_start3A_311 : memref<64xi32, #tpu.memory_space<hbm>>) target(%arg7 : memref<64xi32, #tpu.memory_space<vmem>>) target_semaphore(%run_scoped3A_309 : memref<!tpu.dma_semaphore, #tpu.memory_space<semaphore_mem>>)
      %dma_wait3A_312 = tpu.memref_slice %arg2[%mul3A_2] : memref<2048xi32, #tpu.memory_space<hbm>> -> memref<64xi32, #tpu.memory_space<hbm>>
      %dma_wait3A_313 = tpu.memref_slice %arg2[%mul3A_2] : memref<2048xi32, #tpu.memory_space<hbm>> -> memref<64xi32, #tpu.memory_space<hbm>>
      tpu.wait_dma2 semaphore(%run_scoped3A_309 : memref<!tpu.dma_semaphore, #tpu.memory_space<semaphore_mem>>) src(%dma_wait3A_313 : memref<64xi32, #tpu.memory_space<hbm>>) dst(%arg7 : memref<64xi32, #tpu.memory_space<vmem>>)
      tpu.yield
    }) : () -> ()
    "tpu.region"() ({
      %run_scoped3A_309 = tpu.sem_alloc : memref<!tpu.dma_semaphore, #tpu.memory_space<semaphore_mem>>
      %dma_start3A_310 = tpu.memref_slice %arg3[%mul3A_2] : memref<2048xi32, #tpu.memory_space<hbm>> -> memref<64xi32, #tpu.memory_space<hbm>>
      %dma_start3A_311 = tpu.memref_slice %arg3[%mul3A_2] : memref<2048xi32, #tpu.memory_space<hbm>> -> memref<64xi32, #tpu.memory_space<hbm>>
      tpu.enqueue_dma source(%dma_start3A_311 : memref<64xi32, #tpu.memory_space<hbm>>) target(%arg8 : memref<64xi32, #tpu.memory_space<vmem>>) target_semaphore(%run_scoped3A_309 : memref<!tpu.dma_semaphore, #tpu.memory_space<semaphore_mem>>)
      %dma_wait3A_312 = tpu.memref_slice %arg3[%mul3A_2] : memref<2048xi32, #tpu.memory_space<hbm>> -> memref<64xi32, #tpu.memory_space<hbm>>
      %dma_wait3A_313 = tpu.memref_slice %arg3[%mul3A_2] : memref<2048xi32, #tpu.memory_space<hbm>> -> memref<64xi32, #tpu.memory_space<hbm>>
      tpu.wait_dma2 semaphore(%run_scoped3A_309 : memref<!tpu.dma_semaphore, #tpu.memory_space<semaphore_mem>>) src(%dma_wait3A_313 : memref<64xi32, #tpu.memory_space<hbm>>) dst(%arg8 : memref<64xi32, #tpu.memory_space<vmem>>)
      tpu.yield
    }) : () -> ()
    %run_scoped3A = arith.constant 0 : i32
    "tpu.region"() ({
      %run_scoped3A_309 = tpu.sem_alloc : memref<!tpu.dma_semaphore, #tpu.memory_space<semaphore_mem>>
      %dma_start3A_310 = tpu.memref_slice %arg4[%run_scoped3A, %mul3A_2] : memref<8x2048xf32, #tpu.memory_space<hbm>> -> memref<1x64xf32, #tpu.memory_space<hbm>>
      %dma_start3A_311 = tpu.memref_squeeze %dma_start3A_310 : memref<1x64xf32, #tpu.memory_space<hbm>> -> memref<64xf32, #tpu.memory_space<hbm>>
      %dma_start3A_312 = tpu.memref_slice %arg4[%run_scoped3A, %mul3A_2] : memref<8x2048xf32, #tpu.memory_space<hbm>> -> memref<1x64xf32, #tpu.memory_space<hbm>>
      %dma_start3A_313 = tpu.memref_squeeze %dma_start3A_312 : memref<1x64xf32, #tpu.memory_space<hbm>> -> memref<64xf32, #tpu.memory_space<hbm>>
      tpu.enqueue_dma source(%dma_start3A_313 : memref<64xf32, #tpu.memory_space<hbm>>) target(%arg9 : memref<64xf32, #tpu.memory_space<vmem>>) target_semaphore(%run_scoped3A_309 : memref<!tpu.dma_semaphore, #tpu.memory_space<semaphore_mem>>)
      %dma_wait3A_314 = tpu.memref_slice %arg4[%run_scoped3A, %mul3A_2] : memref<8x2048xf32, #tpu.memory_space<hbm>> -> memref<1x64xf32, #tpu.memory_space<hbm>>
      %dma_wait3A_315 = tpu.memref_squeeze %dma_wait3A_314 : memref<1x64xf32, #tpu.memory_space<hbm>> -> memref<64xf32, #tpu.memory_space<hbm>>
      %dma_wait3A_316 = tpu.memref_slice %arg4[%run_scoped3A, %mul3A_2] : memref<8x2048xf32, #tpu.memory_space<hbm>> -> memref<1x64xf32, #tpu.memory_space<hbm>>
      %dma_wait3A_317 = tpu.memref_squeeze %dma_wait3A_316 : memref<1x64xf32, #tpu.memory_space<hbm>> -> memref<64xf32, #tpu.memory_space<hbm>>
      tpu.wait_dma2 semaphore(%run_scoped3A_309 : memref<!tpu.dma_semaphore, #tpu.memory_space<semaphore_mem>>) src(%dma_wait3A_317 : memref<64xf32, #tpu.memory_space<hbm>>) dst(%arg9 : memref<64xf32, #tpu.memory_space<vmem>>)
      tpu.yield
    }) : () -> ()
    %run_scoped3A_3 = arith.constant 1 : i32
    "tpu.region"() ({
      %run_scoped3A_309 = tpu.sem_alloc : memref<!tpu.dma_semaphore, #tpu.memory_space<semaphore_mem>>
      %dma_start3A_310 = tpu.memref_slice %arg4[%run_scoped3A_3, %mul3A_2] : memref<8x2048xf32, #tpu.memory_space<hbm>> -> memref<1x64xf32, #tpu.memory_space<hbm>>
      %dma_start3A_311 = tpu.memref_squeeze %dma_start3A_310 : memref<1x64xf32, #tpu.memory_space<hbm>> -> memref<64xf32, #tpu.memory_space<hbm>>
      %dma_start3A_312 = tpu.memref_slice %arg4[%run_scoped3A_3, %mul3A_2] : memref<8x2048xf32, #tpu.memory_space<hbm>> -> memref<1x64xf32, #tpu.memory_space<hbm>>
      %dma_start3A_313 = tpu.memref_squeeze %dma_start3A_312 : memref<1x64xf32, #tpu.memory_space<hbm>> -> memref<64xf32, #tpu.memory_space<hbm>>
      tpu.enqueue_dma source(%dma_start3A_313 : memref<64xf32, #tpu.memory_space<hbm>>) target(%arg10 : memref<64xf32, #tpu.memory_space<vmem>>) target_semaphore(%run_scoped3A_309 : memref<!tpu.dma_semaphore, #tpu.memory_space<semaphore_mem>>)
      %dma_wait3A_314 = tpu.memref_slice %arg4[%run_scoped3A_3, %mul3A_2] : memref<8x2048xf32, #tpu.memory_space<hbm>> -> memref<1x64xf32, #tpu.memory_space<hbm>>
      %dma_wait3A_315 = tpu.memref_squeeze %dma_wait3A_314 : memref<1x64xf32, #tpu.memory_space<hbm>> -> memref<64xf32, #tpu.memory_space<hbm>>
      %dma_wait3A_316 = tpu.memref_slice %arg4[%run_scoped3A_3, %mul3A_2] : memref<8x2048xf32, #tpu.memory_space<hbm>> -> memref<1x64xf32, #tpu.memory_space<hbm>>
      %dma_wait3A_317 = tpu.memref_squeeze %dma_wait3A_316 : memref<1x64xf32, #tpu.memory_space<hbm>> -> memref<64xf32, #tpu.memory_space<hbm>>
      tpu.wait_dma2 semaphore(%run_scoped3A_309 : memref<!tpu.dma_semaphore, #tpu.memory_space<semaphore_mem>>) src(%dma_wait3A_317 : memref<64xf32, #tpu.memory_space<hbm>>) dst(%arg10 : memref<64xf32, #tpu.memory_space<vmem>>)
      tpu.yield
    }) : () -> ()
    %run_scoped3A_4 = arith.constant 2 : i32
    "tpu.region"() ({
      %run_scoped3A_309 = tpu.sem_alloc : memref<!tpu.dma_semaphore, #tpu.memory_space<semaphore_mem>>
      %dma_start3A_310 = tpu.memref_slice %arg4[%run_scoped3A_4, %mul3A_2] : memref<8x2048xf32, #tpu.memory_space<hbm>> -> memref<1x64xf32, #tpu.memory_space<hbm>>
      %dma_start3A_311 = tpu.memref_squeeze %dma_start3A_310 : memref<1x64xf32, #tpu.memory_space<hbm>> -> memref<64xf32, #tpu.memory_space<hbm>>
      %dma_start3A_312 = tpu.memref_slice %arg4[%run_scoped3A_4, %mul3A_2] : memref<8x2048xf32, #tpu.memory_space<hbm>> -> memref<1x64xf32, #tpu.memory_space<hbm>>
      %dma_start3A_313 = tpu.memref_squeeze %dma_start3A_312 : memref<1x64xf32, #tpu.memory_space<hbm>> -> memref<64xf32, #tpu.memory_space<hbm>>
      tpu.enqueue_dma source(%dma_start3A_313 : memref<64xf32, #tpu.memory_space<hbm>>) target(%arg11 : memref<64xf32, #tpu.memory_space<vmem>>) target_semaphore(%run_scoped3A_309 : memref<!tpu.dma_semaphore, #tpu.memory_space<semaphore_mem>>)
      %dma_wait3A_314 = tpu.memref_slice %arg4[%run_scoped3A_4, %mul3A_2] : memref<8x2048xf32, #tpu.memory_space<hbm>> -> memref<1x64xf32, #tpu.memory_space<hbm>>
      %dma_wait3A_315 = tpu.memref_squeeze %dma_wait3A_314 : memref<1x64xf32, #tpu.memory_space<hbm>> -> memref<64xf32, #tpu.memory_space<hbm>>
      %dma_wait3A_316 = tpu.memref_slice %arg4[%run_scoped3A_4, %mul3A_2] : memref<8x2048xf32, #tpu.memory_space<hbm>> -> memref<1x64xf32, #tpu.memory_space<hbm>>
      %dma_wait3A_317 = tpu.memref_squeeze %dma_wait3A_316 : memref<1x64xf32, #tpu.memory_space<hbm>> -> memref<64xf32, #tpu.memory_space<hbm>>
      tpu.wait_dma2 semaphore(%run_scoped3A_309 : memref<!tpu.dma_semaphore, #tpu.memory_space<semaphore_mem>>) src(%dma_wait3A_317 : memref<64xf32, #tpu.memory_space<hbm>>) dst(%arg11 : memref<64xf32, #tpu.memory_space<vmem>>)
      tpu.yield
    }) : () -> ()
    %run_scoped3A_5 = arith.constant 3 : i32
    "tpu.region"() ({
      %run_scoped3A_309 = tpu.sem_alloc : memref<!tpu.dma_semaphore, #tpu.memory_space<semaphore_mem>>
      %dma_start3A_310 = tpu.memref_slice %arg4[%run_scoped3A_5, %mul3A_2] : memref<8x2048xf32, #tpu.memory_space<hbm>> -> memref<1x64xf32, #tpu.memory_space<hbm>>
      %dma_start3A_311 = tpu.memref_squeeze %dma_start3A_310 : memref<1x64xf32, #tpu.memory_space<hbm>> -> memref<64xf32, #tpu.memory_space<hbm>>
      %dma_start3A_312 = tpu.memref_slice %arg4[%run_scoped3A_5, %mul3A_2] : memref<8x2048xf32, #tpu.memory_space<hbm>> -> memref<1x64xf32, #tpu.memory_space<hbm>>
      %dma_start3A_313 = tpu.memref_squeeze %dma_start3A_312 : memref<1x64xf32, #tpu.memory_space<hbm>> -> memref<64xf32, #tpu.memory_space<hbm>>
      tpu.enqueue_dma source(%dma_start3A_313 : memref<64xf32, #tpu.memory_space<hbm>>) target(%arg12 : memref<64xf32, #tpu.memory_space<vmem>>) target_semaphore(%run_scoped3A_309 : memref<!tpu.dma_semaphore, #tpu.memory_space<semaphore_mem>>)
      %dma_wait3A_314 = tpu.memref_slice %arg4[%run_scoped3A_5, %mul3A_2] : memref<8x2048xf32, #tpu.memory_space<hbm>> -> memref<1x64xf32, #tpu.memory_space<hbm>>
      %dma_wait3A_315 = tpu.memref_squeeze %dma_wait3A_314 : memref<1x64xf32, #tpu.memory_space<hbm>> -> memref<64xf32, #tpu.memory_space<hbm>>
      %dma_wait3A_316 = tpu.memref_slice %arg4[%run_scoped3A_5, %mul3A_2] : memref<8x2048xf32, #tpu.memory_space<hbm>> -> memref<1x64xf32, #tpu.memory_space<hbm>>
      %dma_wait3A_317 = tpu.memref_squeeze %dma_wait3A_316 : memref<1x64xf32, #tpu.memory_space<hbm>> -> memref<64xf32, #tpu.memory_space<hbm>>
      tpu.wait_dma2 semaphore(%run_scoped3A_309 : memref<!tpu.dma_semaphore, #tpu.memory_space<semaphore_mem>>) src(%dma_wait3A_317 : memref<64xf32, #tpu.memory_space<hbm>>) dst(%arg12 : memref<64xf32, #tpu.memory_space<vmem>>)
      tpu.yield
    }) : () -> ()
    %run_scoped3A_6 = arith.constant 4 : i32
    "tpu.region"() ({
      %run_scoped3A_309 = tpu.sem_alloc : memref<!tpu.dma_semaphore, #tpu.memory_space<semaphore_mem>>
      %dma_start3A_310 = tpu.memref_slice %arg4[%run_scoped3A_6, %mul3A_2] : memref<8x2048xf32, #tpu.memory_space<hbm>> -> memref<1x64xf32, #tpu.memory_space<hbm>>
      %dma_start3A_311 = tpu.memref_squeeze %dma_start3A_310 : memref<1x64xf32, #tpu.memory_space<hbm>> -> memref<64xf32, #tpu.memory_space<hbm>>
      %dma_start3A_312 = tpu.memref_slice %arg4[%run_scoped3A_6, %mul3A_2] : memref<8x2048xf32, #tpu.memory_space<hbm>> -> memref<1x64xf32, #tpu.memory_space<hbm>>
      %dma_start3A_313 = tpu.memref_squeeze %dma_start3A_312 : memref<1x64xf32, #tpu.memory_space<hbm>> -> memref<64xf32, #tpu.memory_space<hbm>>
      tpu.enqueue_dma source(%dma_start3A_313 : memref<64xf32, #tpu.memory_space<hbm>>) target(%arg13 : memref<64xf32, #tpu.memory_space<vmem>>) target_semaphore(%run_scoped3A_309 : memref<!tpu.dma_semaphore, #tpu.memory_space<semaphore_mem>>)
      %dma_wait3A_314 = tpu.memref_slice %arg4[%run_scoped3A_6, %mul3A_2] : memref<8x2048xf32, #tpu.memory_space<hbm>> -> memref<1x64xf32, #tpu.memory_space<hbm>>
      %dma_wait3A_315 = tpu.memref_squeeze %dma_wait3A_314 : memref<1x64xf32, #tpu.memory_space<hbm>> -> memref<64xf32, #tpu.memory_space<hbm>>
      %dma_wait3A_316 = tpu.memref_slice %arg4[%run_scoped3A_6, %mul3A_2] : memref<8x2048xf32, #tpu.memory_space<hbm>> -> memref<1x64xf32, #tpu.memory_space<hbm>>
      %dma_wait3A_317 = tpu.memref_squeeze %dma_wait3A_316 : memref<1x64xf32, #tpu.memory_space<hbm>> -> memref<64xf32, #tpu.memory_space<hbm>>
      tpu.wait_dma2 semaphore(%run_scoped3A_309 : memref<!tpu.dma_semaphore, #tpu.memory_space<semaphore_mem>>) src(%dma_wait3A_317 : memref<64xf32, #tpu.memory_space<hbm>>) dst(%arg13 : memref<64xf32, #tpu.memory_space<vmem>>)
      tpu.yield
    }) : () -> ()
    %run_scoped3A_7 = arith.constant 5 : i32
    "tpu.region"() ({
      %run_scoped3A_309 = tpu.sem_alloc : memref<!tpu.dma_semaphore, #tpu.memory_space<semaphore_mem>>
      %dma_start3A_310 = tpu.memref_slice %arg4[%run_scoped3A_7, %mul3A_2] : memref<8x2048xf32, #tpu.memory_space<hbm>> -> memref<1x64xf32, #tpu.memory_space<hbm>>
      %dma_start3A_311 = tpu.memref_squeeze %dma_start3A_310 : memref<1x64xf32, #tpu.memory_space<hbm>> -> memref<64xf32, #tpu.memory_space<hbm>>
      %dma_start3A_312 = tpu.memref_slice %arg4[%run_scoped3A_7, %mul3A_2] : memref<8x2048xf32, #tpu.memory_space<hbm>> -> memref<1x64xf32, #tpu.memory_space<hbm>>
      %dma_start3A_313 = tpu.memref_squeeze %dma_start3A_312 : memref<1x64xf32, #tpu.memory_space<hbm>> -> memref<64xf32, #tpu.memory_space<hbm>>
      tpu.enqueue_dma source(%dma_start3A_313 : memref<64xf32, #tpu.memory_space<hbm>>) target(%arg14 : memref<64xf32, #tpu.memory_space<vmem>>) target_semaphore(%run_scoped3A_309 : memref<!tpu.dma_semaphore, #tpu.memory_space<semaphore_mem>>)
      %dma_wait3A_314 = tpu.memref_slice %arg4[%run_scoped3A_7, %mul3A_2] : memref<8x2048xf32, #tpu.memory_space<hbm>> -> memref<1x64xf32, #tpu.memory_space<hbm>>
      %dma_wait3A_315 = tpu.memref_squeeze %dma_wait3A_314 : memref<1x64xf32, #tpu.memory_space<hbm>> -> memref<64xf32, #tpu.memory_space<hbm>>
      %dma_wait3A_316 = tpu.memref_slice %arg4[%run_scoped3A_7, %mul3A_2] : memref<8x2048xf32, #tpu.memory_space<hbm>> -> memref<1x64xf32, #tpu.memory_space<hbm>>
      %dma_wait3A_317 = tpu.memref_squeeze %dma_wait3A_316 : memref<1x64xf32, #tpu.memory_space<hbm>> -> memref<64xf32, #tpu.memory_space<hbm>>
      tpu.wait_dma2 semaphore(%run_scoped3A_309 : memref<!tpu.dma_semaphore, #tpu.memory_space<semaphore_mem>>) src(%dma_wait3A_317 : memref<64xf32, #tpu.memory_space<hbm>>) dst(%arg14 : memref<64xf32, #tpu.memory_space<vmem>>)
      tpu.yield
    }) : () -> ()
    %add3A_8 = arith.constant 0 : i32
    %add3A_9 = arith.addi %mul3A_2, %add3A_8 : i32
    %iota3A = tpu.iota {dimensions = array<i32: 0>} : vector<16xi32>
    %add3A_10 = vector.broadcast %add3A_9 : i32 to vector<16xi32>
    %add3A_11 = arith.addi %add3A_10, %iota3A : vector<16xi32>
    %mul3A_12 = arith.constant 32000 : i32
    %mul3A_13 = vector.broadcast %mul3A_12 : i32 to vector<16xi32>
    %mul3A_14 = arith.muli %add3A_11, %mul3A_13 : vector<16xi32>
    %swap3A = arith.constant 0 : index
    %swap3A_15 = tpu.vector_load %arg17[%swap3A] {strides = array<i32>} : memref<64xi32, #tpu.memory_space<vmem>>, vector<16xi32>,
    %swap3A_16 = vector.shape_cast %swap3A_15 : vector<16xi32> to vector<16xi32>
    %swap3A_17 = vector.shape_cast %mul3A_14 : vector<16xi32> to vector<16xi32>
    tpu.vector_store %arg17[%swap3A], %swap3A_17 {strides = array<i32>} : memref<64xi32, #tpu.memory_space<vmem>>, vector<16xi32>,
    %get3A = arith.constant 0 : index
    %get3A_18 = tpu.vector_load %arg7[%get3A] {strides = array<i32>} : memref<64xi32, #tpu.memory_space<vmem>>, vector<16xi32>,
    %get3A_19 = vector.shape_cast %get3A_18 : vector<16xi32> to vector<16xi32>
    %add3A_20 = arith.addi %mul3A_14, %get3A_19 : vector<16xi32>
    %swap3A_21 = arith.constant 0 : index
    %swap3A_22 = tpu.vector_load %arg16[%swap3A_21] {strides = array<i32>} : memref<64xi32, #tpu.memory_space<vmem>>, vector<16xi32>,
    %swap3A_23 = vector.shape_cast %swap3A_22 : vector<16xi32> to vector<16xi32>
    %swap3A_24 = vector.shape_cast %add3A_20 : vector<16xi32> to vector<16xi32>
    tpu.vector_store %arg16[%swap3A_21], %swap3A_24 {strides = array<i32>} : memref<64xi32, #tpu.memory_space<vmem>>, vector<16xi32>,
    %get3A_25 = arith.constant 0 : index
    %get3A_26 = tpu.vector_load %arg8[%get3A_25] {strides = array<i32>} : memref<64xi32, #tpu.memory_space<vmem>>, vector<16xi32>,
    %get3A_27 = vector.shape_cast %get3A_26 : vector<16xi32> to vector<16xi32>
    %add3A_28 = arith.addi %mul3A_14, %get3A_27 : vector<16xi32>
    %swap3A_29 = arith.constant 0 : index
    %swap3A_30 = tpu.vector_load %arg15[%swap3A_29] {strides = array<i32>} : memref<64xi32, #tpu.memory_space<vmem>>, vector<16xi32>,
    %swap3A_31 = vector.shape_cast %swap3A_30 : vector<16xi32> to vector<16xi32>
    %swap3A_32 = vector.shape_cast %add3A_28 : vector<16xi32> to vector<16xi32>
    tpu.vector_store %arg15[%swap3A_29], %swap3A_32 {strides = array<i32>} : memref<64xi32, #tpu.memory_space<vmem>>, vector<16xi32>,
    %add3A_33 = arith.constant 16 : i32
    %add3A_34 = arith.addi %mul3A_2, %add3A_33 : i32
    %iota3A_35 = tpu.iota {dimensions = array<i32: 0>} : vector<16xi32>
    %add3A_36 = vector.broadcast %add3A_34 : i32 to vector<16xi32>
    %add3A_37 = arith.addi %add3A_36, %iota3A_35 : vector<16xi32>
    %mul3A_38 = arith.constant 32000 : i32
    %mul3A_39 = vector.broadcast %mul3A_38 : i32 to vector<16xi32>
    %mul3A_40 = arith.muli %add3A_37, %mul3A_39 : vector<16xi32>
    %swap3A_41 = arith.constant 16 : index
    %swap3A_42 = tpu.vector_load %arg17[%swap3A_41] {strides = array<i32>} : memref<64xi32, #tpu.memory_space<vmem>>, vector<16xi32>,
    %swap3A_43 = vector.shape_cast %swap3A_42 : vector<16xi32> to vector<16xi32>
    %swap3A_44 = vector.shape_cast %mul3A_40 : vector<16xi32> to vector<16xi32>
    tpu.vector_store %arg17[%swap3A_41], %swap3A_44 {strides = array<i32>} : memref<64xi32, #tpu.memory_space<vmem>>, vector<16xi32>,
    %get3A_45 = arith.constant 16 : index
    %get3A_46 = tpu.vector_load %arg7[%get3A_45] {strides = array<i32>} : memref<64xi32, #tpu.memory_space<vmem>>, vector<16xi32>,
    %get3A_47 = vector.shape_cast %get3A_46 : vector<16xi32> to vector<16xi32>
    %add3A_48 = arith.addi %mul3A_40, %get3A_47 : vector<16xi32>
    %swap3A_49 = arith.constant 16 : index
    %swap3A_50 = tpu.vector_load %arg16[%swap3A_49] {strides = array<i32>} : memref<64xi32, #tpu.memory_space<vmem>>, vector<16xi32>,
    %swap3A_51 = vector.shape_cast %swap3A_50 : vector<16xi32> to vector<16xi32>
    %swap3A_52 = vector.shape_cast %add3A_48 : vector<16xi32> to vector<16xi32>
    tpu.vector_store %arg16[%swap3A_49], %swap3A_52 {strides = array<i32>} : memref<64xi32, #tpu.memory_space<vmem>>, vector<16xi32>,
    %get3A_53 = arith.constant 16 : index
    %get3A_54 = tpu.vector_load %arg8[%get3A_53] {strides = array<i32>} : memref<64xi32, #tpu.memory_space<vmem>>, vector<16xi32>,
    %get3A_55 = vector.shape_cast %get3A_54 : vector<16xi32> to vector<16xi32>
    %add3A_56 = arith.addi %mul3A_40, %get3A_55 : vector<16xi32>
    %swap3A_57 = arith.constant 16 : index
    %swap3A_58 = tpu.vector_load %arg15[%swap3A_57] {strides = array<i32>} : memref<64xi32, #tpu.memory_space<vmem>>, vector<16xi32>,
    %swap3A_59 = vector.shape_cast %swap3A_58 : vector<16xi32> to vector<16xi32>
    %swap3A_60 = vector.shape_cast %add3A_56 : vector<16xi32> to vector<16xi32>
    tpu.vector_store %arg15[%swap3A_57], %swap3A_60 {strides = array<i32>} : memref<64xi32, #tpu.memory_space<vmem>>, vector<16xi32>,
    %add3A_61 = arith.constant 32 : i32
    %add3A_62 = arith.addi %mul3A_2, %add3A_61 : i32
    %iota3A_63 = tpu.iota {dimensions = array<i32: 0>} : vector<16xi32>
    %add3A_64 = vector.broadcast %add3A_62 : i32 to vector<16xi32>
    %add3A_65 = arith.addi %add3A_64, %iota3A_63 : vector<16xi32>
    %mul3A_66 = arith.constant 32000 : i32
    %mul3A_67 = vector.broadcast %mul3A_66 : i32 to vector<16xi32>
    %mul3A_68 = arith.muli %add3A_65, %mul3A_67 : vector<16xi32>
    %swap3A_69 = arith.constant 32 : index
    %swap3A_70 = tpu.vector_load %arg17[%swap3A_69] {strides = array<i32>} : memref<64xi32, #tpu.memory_space<vmem>>, vector<16xi32>,
    %swap3A_71 = vector.shape_cast %swap3A_70 : vector<16xi32> to vector<16xi32>
    %swap3A_72 = vector.shape_cast %mul3A_68 : vector<16xi32> to vector<16xi32>
    tpu.vector_store %arg17[%swap3A_69], %swap3A_72 {strides = array<i32>} : memref<64xi32, #tpu.memory_space<vmem>>, vector<16xi32>,
    %get3A_73 = arith.constant 32 : index
    %get3A_74 = tpu.vector_load %arg7[%get3A_73] {strides = array<i32>} : memref<64xi32, #tpu.memory_space<vmem>>, vector<16xi32>,
    %get3A_75 = vector.shape_cast %get3A_74 : vector<16xi32> to vector<16xi32>
    %add3A_76 = arith.addi %mul3A_68, %get3A_75 : vector<16xi32>
    %swap3A_77 = arith.constant 32 : index
    %swap3A_78 = tpu.vector_load %arg16[%swap3A_77] {strides = array<i32>} : memref<64xi32, #tpu.memory_space<vmem>>, vector<16xi32>,
    %swap3A_79 = vector.shape_cast %swap3A_78 : vector<16xi32> to vector<16xi32>
    %swap3A_80 = vector.shape_cast %add3A_76 : vector<16xi32> to vector<16xi32>
    tpu.vector_store %arg16[%swap3A_77], %swap3A_80 {strides = array<i32>} : memref<64xi32, #tpu.memory_space<vmem>>, vector<16xi32>,
    %get3A_81 = arith.constant 32 : index
    %get3A_82 = tpu.vector_load %arg8[%get3A_81] {strides = array<i32>} : memref<64xi32, #tpu.memory_space<vmem>>, vector<16xi32>,
    %get3A_83 = vector.shape_cast %get3A_82 : vector<16xi32> to vector<16xi32>
    %add3A_84 = arith.addi %mul3A_68, %get3A_83 : vector<16xi32>
    %swap3A_85 = arith.constant 32 : index
    %swap3A_86 = tpu.vector_load %arg15[%swap3A_85] {strides = array<i32>} : memref<64xi32, #tpu.memory_space<vmem>>, vector<16xi32>,
    %swap3A_87 = vector.shape_cast %swap3A_86 : vector<16xi32> to vector<16xi32>
    %swap3A_88 = vector.shape_cast %add3A_84 : vector<16xi32> to vector<16xi32>
    tpu.vector_store %arg15[%swap3A_85], %swap3A_88 {strides = array<i32>} : memref<64xi32, #tpu.memory_space<vmem>>, vector<16xi32>,
    %add3A_89 = arith.constant 48 : i32
    %add3A_90 = arith.addi %mul3A_2, %add3A_89 : i32
    %iota3A_91 = tpu.iota {dimensions = array<i32: 0>} : vector<16xi32>
    %add3A_92 = vector.broadcast %add3A_90 : i32 to vector<16xi32>
    %add3A_93 = arith.addi %add3A_92, %iota3A_91 : vector<16xi32>
    %mul3A_94 = arith.constant 32000 : i32
    %mul3A_95 = vector.broadcast %mul3A_94 : i32 to vector<16xi32>
    %mul3A_96 = arith.muli %add3A_93, %mul3A_95 : vector<16xi32>
    %swap3A_97 = arith.constant 48 : index
    %swap3A_98 = tpu.vector_load %arg17[%swap3A_97] {strides = array<i32>} : memref<64xi32, #tpu.memory_space<vmem>>, vector<16xi32>,
    %swap3A_99 = vector.shape_cast %swap3A_98 : vector<16xi32> to vector<16xi32>
    %swap3A_100 = vector.shape_cast %mul3A_96 : vector<16xi32> to vector<16xi32>
    tpu.vector_store %arg17[%swap3A_97], %swap3A_100 {strides = array<i32>} : memref<64xi32, #tpu.memory_space<vmem>>, vector<16xi32>,
    %get3A_101 = arith.constant 48 : index
    %get3A_102 = tpu.vector_load %arg7[%get3A_101] {strides = array<i32>} : memref<64xi32, #tpu.memory_space<vmem>>, vector<16xi32>,
    %get3A_103 = vector.shape_cast %get3A_102 : vector<16xi32> to vector<16xi32>
    %add3A_104 = arith.addi %mul3A_96, %get3A_103 : vector<16xi32>
    %swap3A_105 = arith.constant 48 : index
    %swap3A_106 = tpu.vector_load %arg16[%swap3A_105] {strides = array<i32>} : memref<64xi32, #tpu.memory_space<vmem>>, vector<16xi32>,
    %swap3A_107 = vector.shape_cast %swap3A_106 : vector<16xi32> to vector<16xi32>
    %swap3A_108 = vector.shape_cast %add3A_104 : vector<16xi32> to vector<16xi32>
    tpu.vector_store %arg16[%swap3A_105], %swap3A_108 {strides = array<i32>} : memref<64xi32, #tpu.memory_space<vmem>>, vector<16xi32>,
    %get3A_109 = arith.constant 48 : index
    %get3A_110 = tpu.vector_load %arg8[%get3A_109] {strides = array<i32>} : memref<64xi32, #tpu.memory_space<vmem>>, vector<16xi32>,
    %get3A_111 = vector.shape_cast %get3A_110 : vector<16xi32> to vector<16xi32>
    %add3A_112 = arith.addi %mul3A_96, %get3A_111 : vector<16xi32>
    %swap3A_113 = arith.constant 48 : index
    %swap3A_114 = tpu.vector_load %arg15[%swap3A_113] {strides = array<i32>} : memref<64xi32, #tpu.memory_space<vmem>>, vector<16xi32>,
    %swap3A_115 = vector.shape_cast %swap3A_114 : vector<16xi32> to vector<16xi32>
    %swap3A_116 = vector.shape_cast %add3A_112 : vector<16xi32> to vector<16xi32>
    tpu.vector_store %arg15[%swap3A_113], %swap3A_116 {strides = array<i32>} : memref<64xi32, #tpu.memory_space<vmem>>, vector<16xi32>,
    %dma_start3A = arith.constant 0 : i32
    %dma_start3A_117 = tpu.memref_slice %arg5[%dma_start3A] : memref<65536000xf32, #tpu.memory_space<hbm>> -> memref<65536000xf32, #tpu.memory_space<hbm>>
    tpu.enqueue_indirect_dma source(%dma_start3A_117 : memref<65536000xf32, #tpu.memory_space<hbm>>) target(%arg18 : memref<64xf32, #tpu.memory_space<vmem>>) offsets(%arg15 : memref<64xi32, #tpu.memory_space<vmem>>) semaphore(%arg24 : memref<!tpu.dma_semaphore, #tpu.memory_space<semaphore_mem>>)
    %dma_wait3A = arith.constant 0 : i32
    %dma_wait3A_118 = tpu.memref_slice %arg5[%dma_wait3A] : memref<65536000xf32, #tpu.memory_space<hbm>> -> memref<65536000xf32, #tpu.memory_space<hbm>>
    tpu.wait_indirect_dma semaphore(%arg24 : memref<!tpu.dma_semaphore, #tpu.memory_space<semaphore_mem>>) src(%dma_wait3A_118 : memref<65536000xf32, #tpu.memory_space<hbm>>) dst(%arg18 : memref<64xf32, #tpu.memory_space<vmem>>)
    %dma_start3A_119 = arith.constant 0 : i32
    %dma_start3A_120 = tpu.memref_slice %arg5[%dma_start3A_119] : memref<65536000xf32, #tpu.memory_space<hbm>> -> memref<65536000xf32, #tpu.memory_space<hbm>>
    tpu.enqueue_indirect_dma source(%dma_start3A_120 : memref<65536000xf32, #tpu.memory_space<hbm>>) target(%arg19 : memref<64xf32, #tpu.memory_space<vmem>>) offsets(%arg16 : memref<64xi32, #tpu.memory_space<vmem>>) semaphore(%arg24 : memref<!tpu.dma_semaphore, #tpu.memory_space<semaphore_mem>>)
    %dma_wait3A_121 = arith.constant 0 : i32
    %dma_wait3A_122 = tpu.memref_slice %arg5[%dma_wait3A_121] : memref<65536000xf32, #tpu.memory_space<hbm>> -> memref<65536000xf32, #tpu.memory_space<hbm>>
    tpu.wait_indirect_dma semaphore(%arg24 : memref<!tpu.dma_semaphore, #tpu.memory_space<semaphore_mem>>) src(%dma_wait3A_122 : memref<65536000xf32, #tpu.memory_space<hbm>>) dst(%arg19 : memref<64xf32, #tpu.memory_space<vmem>>)
    %dma_start3A_123 = arith.constant 0 : i32
    %dma_start3A_124 = tpu.memref_slice %arg5[%dma_start3A_123] : memref<65536000xf32, #tpu.memory_space<hbm>> -> memref<65536000xf32, #tpu.memory_space<hbm>>
    tpu.enqueue_indirect_dma source(%dma_start3A_124 : memref<65536000xf32, #tpu.memory_space<hbm>>) target(%arg20 : memref<64xf32, #tpu.memory_space<vmem>>) offsets(%arg17 : memref<64xi32, #tpu.memory_space<vmem>>) semaphore(%arg24 : memref<!tpu.dma_semaphore, #tpu.memory_space<semaphore_mem>>)
    %dma_wait3A_125 = arith.constant 0 : i32
    %dma_wait3A_126 = tpu.memref_slice %arg5[%dma_wait3A_125] : memref<65536000xf32, #tpu.memory_space<hbm>> -> memref<65536000xf32, #tpu.memory_space<hbm>>
    tpu.wait_indirect_dma semaphore(%arg24 : memref<!tpu.dma_semaphore, #tpu.memory_space<semaphore_mem>>) src(%dma_wait3A_126 : memref<65536000xf32, #tpu.memory_space<hbm>>) dst(%arg20 : memref<64xf32, #tpu.memory_space<vmem>>)
    %get3A_127 = arith.constant 0 : index
    %get3A_128 = tpu.vector_load %arg10[%get3A_127] {strides = array<i32>} : memref<64xf32, #tpu.memory_space<vmem>>, vector<16xf32>,
    %get3A_129 = vector.shape_cast %get3A_128 : vector<16xf32> to vector<16xf32>
    %get3A_130 = arith.constant 0 : index
    %get3A_131 = tpu.vector_load %arg9[%get3A_130] {strides = array<i32>} : memref<64xf32, #tpu.memory_space<vmem>>, vector<16xf32>,
    %get3A_132 = vector.shape_cast %get3A_131 : vector<16xf32> to vector<16xf32>
    %get3A_133 = arith.constant 0 : index
    %get3A_134 = tpu.vector_load %arg18[%get3A_133] {strides = array<i32>} : memref<64xf32, #tpu.memory_space<vmem>>, vector<16xf32>,
    %get3A_135 = vector.shape_cast %get3A_134 : vector<16xf32> to vector<16xf32>
    %mul3A_136 = arith.mulf %get3A_132, %get3A_135 : vector<16xf32>
    %sub3A = arith.subf %get3A_129, %mul3A_136 : vector<16xf32>
    %swap3A_137 = arith.constant 0 : index
    %swap3A_138 = tpu.vector_load %arg21[%swap3A_137] {strides = array<i32>} : memref<64xf32, #tpu.memory_space<vmem>>, vector<16xf32>,
    %swap3A_139 = vector.shape_cast %swap3A_138 : vector<16xf32> to vector<16xf32>
    %swap3A_140 = vector.shape_cast %sub3A : vector<16xf32> to vector<16xf32>
    tpu.vector_store %arg21[%swap3A_137], %swap3A_140 {strides = array<i32>} : memref<64xf32, #tpu.memory_space<vmem>>, vector<16xf32>,
    %get3A_141 = arith.constant 0 : index
    %get3A_142 = tpu.vector_load %arg12[%get3A_141] {strides = array<i32>} : memref<64xf32, #tpu.memory_space<vmem>>, vector<16xf32>,
    %get3A_143 = vector.shape_cast %get3A_142 : vector<16xf32> to vector<16xf32>
    %get3A_144 = arith.constant 0 : index
    %get3A_145 = tpu.vector_load %arg11[%get3A_144] {strides = array<i32>} : memref<64xf32, #tpu.memory_space<vmem>>, vector<16xf32>,
    %get3A_146 = vector.shape_cast %get3A_145 : vector<16xf32> to vector<16xf32>
    %get3A_147 = arith.constant 0 : index
    %get3A_148 = tpu.vector_load %arg19[%get3A_147] {strides = array<i32>} : memref<64xf32, #tpu.memory_space<vmem>>, vector<16xf32>,
    %get3A_149 = vector.shape_cast %get3A_148 : vector<16xf32> to vector<16xf32>
    %mul3A_150 = arith.mulf %get3A_146, %get3A_149 : vector<16xf32>
    %sub3A_151 = arith.subf %get3A_143, %mul3A_150 : vector<16xf32>
    %swap3A_152 = arith.constant 0 : index
    %swap3A_153 = tpu.vector_load %arg22[%swap3A_152] {strides = array<i32>} : memref<64xf32, #tpu.memory_space<vmem>>, vector<16xf32>,
    %swap3A_154 = vector.shape_cast %swap3A_153 : vector<16xf32> to vector<16xf32>
    %swap3A_155 = vector.shape_cast %sub3A_151 : vector<16xf32> to vector<16xf32>
    tpu.vector_store %arg22[%swap3A_152], %swap3A_155 {strides = array<i32>} : memref<64xf32, #tpu.memory_space<vmem>>, vector<16xf32>,
    %get3A_156 = arith.constant 0 : index
    %get3A_157 = tpu.vector_load %arg14[%get3A_156] {strides = array<i32>} : memref<64xf32, #tpu.memory_space<vmem>>, vector<16xf32>,
    %get3A_158 = vector.shape_cast %get3A_157 : vector<16xf32> to vector<16xf32>
    %get3A_159 = arith.constant 0 : index
    %get3A_160 = tpu.vector_load %arg13[%get3A_159] {strides = array<i32>} : memref<64xf32, #tpu.memory_space<vmem>>, vector<16xf32>,
    %get3A_161 = vector.shape_cast %get3A_160 : vector<16xf32> to vector<16xf32>
    %get3A_162 = arith.constant 0 : index
    %get3A_163 = tpu.vector_load %arg20[%get3A_162] {strides = array<i32>} : memref<64xf32, #tpu.memory_space<vmem>>, vector<16xf32>,
    %get3A_164 = vector.shape_cast %get3A_163 : vector<16xf32> to vector<16xf32>
    %mul3A_165 = arith.mulf %get3A_161, %get3A_164 : vector<16xf32>
    %sub3A_166 = arith.subf %get3A_158, %mul3A_165 : vector<16xf32>
    %swap3A_167 = arith.constant 0 : index
    %swap3A_168 = tpu.vector_load %arg23[%swap3A_167] {strides = array<i32>} : memref<64xf32, #tpu.memory_space<vmem>>, vector<16xf32>,
    %swap3A_169 = vector.shape_cast %swap3A_168 : vector<16xf32> to vector<16xf32>
    %swap3A_170 = vector.shape_cast %sub3A_166 : vector<16xf32> to vector<16xf32>
    tpu.vector_store %arg23[%swap3A_167], %swap3A_170 {strides = array<i32>} : memref<64xf32, #tpu.memory_space<vmem>>, vector<16xf32>,
    %get3A_171 = arith.constant 16 : index
    %get3A_172 = tpu.vector_load %arg10[%get3A_171] {strides = array<i32>} : memref<64xf32, #tpu.memory_space<vmem>>, vector<16xf32>,
    %get3A_173 = vector.shape_cast %get3A_172 : vector<16xf32> to vector<16xf32>
    %get3A_174 = arith.constant 16 : index
    %get3A_175 = tpu.vector_load %arg9[%get3A_174] {strides = array<i32>} : memref<64xf32, #tpu.memory_space<vmem>>, vector<16xf32>,
    %get3A_176 = vector.shape_cast %get3A_175 : vector<16xf32> to vector<16xf32>
    %get3A_177 = arith.constant 16 : index
    %get3A_178 = tpu.vector_load %arg18[%get3A_177] {strides = array<i32>} : memref<64xf32, #tpu.memory_space<vmem>>, vector<16xf32>,
    %get3A_179 = vector.shape_cast %get3A_178 : vector<16xf32> to vector<16xf32>
    %mul3A_180 = arith.mulf %get3A_176, %get3A_179 : vector<16xf32>
    %sub3A_181 = arith.subf %get3A_173, %mul3A_180 : vector<16xf32>
    %swap3A_182 = arith.constant 16 : index
    %swap3A_183 = tpu.vector_load %arg21[%swap3A_182] {strides = array<i32>} : memref<64xf32, #tpu.memory_space<vmem>>, vector<16xf32>,
    %swap3A_184 = vector.shape_cast %swap3A_183 : vector<16xf32> to vector<16xf32>
    %swap3A_185 = vector.shape_cast %sub3A_181 : vector<16xf32> to vector<16xf32>
    tpu.vector_store %arg21[%swap3A_182], %swap3A_185 {strides = array<i32>} : memref<64xf32, #tpu.memory_space<vmem>>, vector<16xf32>,
    %get3A_186 = arith.constant 16 : index
    %get3A_187 = tpu.vector_load %arg12[%get3A_186] {strides = array<i32>} : memref<64xf32, #tpu.memory_space<vmem>>, vector<16xf32>,
    %get3A_188 = vector.shape_cast %get3A_187 : vector<16xf32> to vector<16xf32>
    %get3A_189 = arith.constant 16 : index
    %get3A_190 = tpu.vector_load %arg11[%get3A_189] {strides = array<i32>} : memref<64xf32, #tpu.memory_space<vmem>>, vector<16xf32>,
    %get3A_191 = vector.shape_cast %get3A_190 : vector<16xf32> to vector<16xf32>
    %get3A_192 = arith.constant 16 : index
    %get3A_193 = tpu.vector_load %arg19[%get3A_192] {strides = array<i32>} : memref<64xf32, #tpu.memory_space<vmem>>, vector<16xf32>,
    %get3A_194 = vector.shape_cast %get3A_193 : vector<16xf32> to vector<16xf32>
    %mul3A_195 = arith.mulf %get3A_191, %get3A_194 : vector<16xf32>
    %sub3A_196 = arith.subf %get3A_188, %mul3A_195 : vector<16xf32>
    %swap3A_197 = arith.constant 16 : index
    %swap3A_198 = tpu.vector_load %arg22[%swap3A_197] {strides = array<i32>} : memref<64xf32, #tpu.memory_space<vmem>>, vector<16xf32>,
    %swap3A_199 = vector.shape_cast %swap3A_198 : vector<16xf32> to vector<16xf32>
    %swap3A_200 = vector.shape_cast %sub3A_196 : vector<16xf32> to vector<16xf32>
    tpu.vector_store %arg22[%swap3A_197], %swap3A_200 {strides = array<i32>} : memref<64xf32, #tpu.memory_space<vmem>>, vector<16xf32>,
    %get3A_201 = arith.constant 16 : index
    %get3A_202 = tpu.vector_load %arg14[%get3A_201] {strides = array<i32>} : memref<64xf32, #tpu.memory_space<vmem>>, vector<16xf32>,
    %get3A_203 = vector.shape_cast %get3A_202 : vector<16xf32> to vector<16xf32>
    %get3A_204 = arith.constant 16 : index
    %get3A_205 = tpu.vector_load %arg13[%get3A_204] {strides = array<i32>} : memref<64xf32, #tpu.memory_space<vmem>>, vector<16xf32>,
    %get3A_206 = vector.shape_cast %get3A_205 : vector<16xf32> to vector<16xf32>
    %get3A_207 = arith.constant 16 : index
    %get3A_208 = tpu.vector_load %arg20[%get3A_207] {strides = array<i32>} : memref<64xf32, #tpu.memory_space<vmem>>, vector<16xf32>,
    %get3A_209 = vector.shape_cast %get3A_208 : vector<16xf32> to vector<16xf32>
    %mul3A_210 = arith.mulf %get3A_206, %get3A_209 : vector<16xf32>
    %sub3A_211 = arith.subf %get3A_203, %mul3A_210 : vector<16xf32>
    %swap3A_212 = arith.constant 16 : index
    %swap3A_213 = tpu.vector_load %arg23[%swap3A_212] {strides = array<i32>} : memref<64xf32, #tpu.memory_space<vmem>>, vector<16xf32>,
    %swap3A_214 = vector.shape_cast %swap3A_213 : vector<16xf32> to vector<16xf32>
    %swap3A_215 = vector.shape_cast %sub3A_211 : vector<16xf32> to vector<16xf32>
    tpu.vector_store %arg23[%swap3A_212], %swap3A_215 {strides = array<i32>} : memref<64xf32, #tpu.memory_space<vmem>>, vector<16xf32>,
    %get3A_216 = arith.constant 32 : index
    %get3A_217 = tpu.vector_load %arg10[%get3A_216] {strides = array<i32>} : memref<64xf32, #tpu.memory_space<vmem>>, vector<16xf32>,
    %get3A_218 = vector.shape_cast %get3A_217 : vector<16xf32> to vector<16xf32>
    %get3A_219 = arith.constant 32 : index
    %get3A_220 = tpu.vector_load %arg9[%get3A_219] {strides = array<i32>} : memref<64xf32, #tpu.memory_space<vmem>>, vector<16xf32>,
    %get3A_221 = vector.shape_cast %get3A_220 : vector<16xf32> to vector<16xf32>
    %get3A_222 = arith.constant 32 : index
    %get3A_223 = tpu.vector_load %arg18[%get3A_222] {strides = array<i32>} : memref<64xf32, #tpu.memory_space<vmem>>, vector<16xf32>,
    %get3A_224 = vector.shape_cast %get3A_223 : vector<16xf32> to vector<16xf32>
    %mul3A_225 = arith.mulf %get3A_221, %get3A_224 : vector<16xf32>
    %sub3A_226 = arith.subf %get3A_218, %mul3A_225 : vector<16xf32>
    %swap3A_227 = arith.constant 32 : index
    %swap3A_228 = tpu.vector_load %arg21[%swap3A_227] {strides = array<i32>} : memref<64xf32, #tpu.memory_space<vmem>>, vector<16xf32>,
    %swap3A_229 = vector.shape_cast %swap3A_228 : vector<16xf32> to vector<16xf32>
    %swap3A_230 = vector.shape_cast %sub3A_226 : vector<16xf32> to vector<16xf32>
    tpu.vector_store %arg21[%swap3A_227], %swap3A_230 {strides = array<i32>} : memref<64xf32, #tpu.memory_space<vmem>>, vector<16xf32>,
    %get3A_231 = arith.constant 32 : index
    %get3A_232 = tpu.vector_load %arg12[%get3A_231] {strides = array<i32>} : memref<64xf32, #tpu.memory_space<vmem>>, vector<16xf32>,
    %get3A_233 = vector.shape_cast %get3A_232 : vector<16xf32> to vector<16xf32>
    %get3A_234 = arith.constant 32 : index
    %get3A_235 = tpu.vector_load %arg11[%get3A_234] {strides = array<i32>} : memref<64xf32, #tpu.memory_space<vmem>>, vector<16xf32>,
    %get3A_236 = vector.shape_cast %get3A_235 : vector<16xf32> to vector<16xf32>
    %get3A_237 = arith.constant 32 : index
    %get3A_238 = tpu.vector_load %arg19[%get3A_237] {strides = array<i32>} : memref<64xf32, #tpu.memory_space<vmem>>, vector<16xf32>,
    %get3A_239 = vector.shape_cast %get3A_238 : vector<16xf32> to vector<16xf32>
    %mul3A_240 = arith.mulf %get3A_236, %get3A_239 : vector<16xf32>
    %sub3A_241 = arith.subf %get3A_233, %mul3A_240 : vector<16xf32>
    %swap3A_242 = arith.constant 32 : index
    %swap3A_243 = tpu.vector_load %arg22[%swap3A_242] {strides = array<i32>} : memref<64xf32, #tpu.memory_space<vmem>>, vector<16xf32>,
    %swap3A_244 = vector.shape_cast %swap3A_243 : vector<16xf32> to vector<16xf32>
    %swap3A_245 = vector.shape_cast %sub3A_241 : vector<16xf32> to vector<16xf32>
    tpu.vector_store %arg22[%swap3A_242], %swap3A_245 {strides = array<i32>} : memref<64xf32, #tpu.memory_space<vmem>>, vector<16xf32>,
    %get3A_246 = arith.constant 32 : index
    %get3A_247 = tpu.vector_load %arg14[%get3A_246] {strides = array<i32>} : memref<64xf32, #tpu.memory_space<vmem>>, vector<16xf32>,
    %get3A_248 = vector.shape_cast %get3A_247 : vector<16xf32> to vector<16xf32>
    %get3A_249 = arith.constant 32 : index
    %get3A_250 = tpu.vector_load %arg13[%get3A_249] {strides = array<i32>} : memref<64xf32, #tpu.memory_space<vmem>>, vector<16xf32>,
    %get3A_251 = vector.shape_cast %get3A_250 : vector<16xf32> to vector<16xf32>
    %get3A_252 = arith.constant 32 : index
    %get3A_253 = tpu.vector_load %arg20[%get3A_252] {strides = array<i32>} : memref<64xf32, #tpu.memory_space<vmem>>, vector<16xf32>,
    %get3A_254 = vector.shape_cast %get3A_253 : vector<16xf32> to vector<16xf32>
    %mul3A_255 = arith.mulf %get3A_251, %get3A_254 : vector<16xf32>
    %sub3A_256 = arith.subf %get3A_248, %mul3A_255 : vector<16xf32>
    %swap3A_257 = arith.constant 32 : index
    %swap3A_258 = tpu.vector_load %arg23[%swap3A_257] {strides = array<i32>} : memref<64xf32, #tpu.memory_space<vmem>>, vector<16xf32>,
    %swap3A_259 = vector.shape_cast %swap3A_258 : vector<16xf32> to vector<16xf32>
    %swap3A_260 = vector.shape_cast %sub3A_256 : vector<16xf32> to vector<16xf32>
    tpu.vector_store %arg23[%swap3A_257], %swap3A_260 {strides = array<i32>} : memref<64xf32, #tpu.memory_space<vmem>>, vector<16xf32>,
    %get3A_261 = arith.constant 48 : index
    %get3A_262 = tpu.vector_load %arg10[%get3A_261] {strides = array<i32>} : memref<64xf32, #tpu.memory_space<vmem>>, vector<16xf32>,
    %get3A_263 = vector.shape_cast %get3A_262 : vector<16xf32> to vector<16xf32>
    %get3A_264 = arith.constant 48 : index
    %get3A_265 = tpu.vector_load %arg9[%get3A_264] {strides = array<i32>} : memref<64xf32, #tpu.memory_space<vmem>>, vector<16xf32>,
    %get3A_266 = vector.shape_cast %get3A_265 : vector<16xf32> to vector<16xf32>
    %get3A_267 = arith.constant 48 : index
    %get3A_268 = tpu.vector_load %arg18[%get3A_267] {strides = array<i32>} : memref<64xf32, #tpu.memory_space<vmem>>, vector<16xf32>,
    %get3A_269 = vector.shape_cast %get3A_268 : vector<16xf32> to vector<16xf32>
    %mul3A_270 = arith.mulf %get3A_266, %get3A_269 : vector<16xf32>
    %sub3A_271 = arith.subf %get3A_263, %mul3A_270 : vector<16xf32>
    %swap3A_272 = arith.constant 48 : index
    %swap3A_273 = tpu.vector_load %arg21[%swap3A_272] {strides = array<i32>} : memref<64xf32, #tpu.memory_space<vmem>>, vector<16xf32>,
    %swap3A_274 = vector.shape_cast %swap3A_273 : vector<16xf32> to vector<16xf32>
    %swap3A_275 = vector.shape_cast %sub3A_271 : vector<16xf32> to vector<16xf32>
    tpu.vector_store %arg21[%swap3A_272], %swap3A_275 {strides = array<i32>} : memref<64xf32, #tpu.memory_space<vmem>>, vector<16xf32>,
    %get3A_276 = arith.constant 48 : index
    %get3A_277 = tpu.vector_load %arg12[%get3A_276] {strides = array<i32>} : memref<64xf32, #tpu.memory_space<vmem>>, vector<16xf32>,
    %get3A_278 = vector.shape_cast %get3A_277 : vector<16xf32> to vector<16xf32>
    %get3A_279 = arith.constant 48 : index
    %get3A_280 = tpu.vector_load %arg11[%get3A_279] {strides = array<i32>} : memref<64xf32, #tpu.memory_space<vmem>>, vector<16xf32>,
    %get3A_281 = vector.shape_cast %get3A_280 : vector<16xf32> to vector<16xf32>
    %get3A_282 = arith.constant 48 : index
    %get3A_283 = tpu.vector_load %arg19[%get3A_282] {strides = array<i32>} : memref<64xf32, #tpu.memory_space<vmem>>, vector<16xf32>,
    %get3A_284 = vector.shape_cast %get3A_283 : vector<16xf32> to vector<16xf32>
    %mul3A_285 = arith.mulf %get3A_281, %get3A_284 : vector<16xf32>
    %sub3A_286 = arith.subf %get3A_278, %mul3A_285 : vector<16xf32>
    %swap3A_287 = arith.constant 48 : index
    %swap3A_288 = tpu.vector_load %arg22[%swap3A_287] {strides = array<i32>} : memref<64xf32, #tpu.memory_space<vmem>>, vector<16xf32>,
    %swap3A_289 = vector.shape_cast %swap3A_288 : vector<16xf32> to vector<16xf32>
    %swap3A_290 = vector.shape_cast %sub3A_286 : vector<16xf32> to vector<16xf32>
    tpu.vector_store %arg22[%swap3A_287], %swap3A_290 {strides = array<i32>} : memref<64xf32, #tpu.memory_space<vmem>>, vector<16xf32>,
    %get3A_291 = arith.constant 48 : index
    %get3A_292 = tpu.vector_load %arg14[%get3A_291] {strides = array<i32>} : memref<64xf32, #tpu.memory_space<vmem>>, vector<16xf32>,
    %get3A_293 = vector.shape_cast %get3A_292 : vector<16xf32> to vector<16xf32>
    %get3A_294 = arith.constant 48 : index
    %get3A_295 = tpu.vector_load %arg13[%get3A_294] {strides = array<i32>} : memref<64xf32, #tpu.memory_space<vmem>>, vector<16xf32>,
    %get3A_296 = vector.shape_cast %get3A_295 : vector<16xf32> to vector<16xf32>
    %get3A_297 = arith.constant 48 : index
    %get3A_298 = tpu.vector_load %arg20[%get3A_297] {strides = array<i32>} : memref<64xf32, #tpu.memory_space<vmem>>, vector<16xf32>,
    %get3A_299 = vector.shape_cast %get3A_298 : vector<16xf32> to vector<16xf32>
    %mul3A_300 = arith.mulf %get3A_296, %get3A_299 : vector<16xf32>
    %sub3A_301 = arith.subf %get3A_293, %mul3A_300 : vector<16xf32>
    %swap3A_302 = arith.constant 48 : index
    %swap3A_303 = tpu.vector_load %arg23[%swap3A_302] {strides = array<i32>} : memref<64xf32, #tpu.memory_space<vmem>>, vector<16xf32>,
    %swap3A_304 = vector.shape_cast %swap3A_303 : vector<16xf32> to vector<16xf32>
    %swap3A_305 = vector.shape_cast %sub3A_301 : vector<16xf32> to vector<16xf32>
    tpu.vector_store %arg23[%swap3A_302], %swap3A_305 {strides = array<i32>} : memref<64xf32, #tpu.memory_space<vmem>>, vector<16xf32>,
    %run_scoped3A_306 = arith.constant 0 : i32
    "tpu.region"() ({
      %run_scoped3A_309 = tpu.sem_alloc : memref<!tpu.dma_semaphore, #tpu.memory_space<semaphore_mem>>
      %dma_start3A_310 = tpu.memref_slice %arg6[%run_scoped3A_306, %mul3A_2] : memref<3x2048xf32, #tpu.memory_space<hbm>> -> memref<1x64xf32, #tpu.memory_space<hbm>>
      %dma_start3A_311 = tpu.memref_squeeze %dma_start3A_310 : memref<1x64xf32, #tpu.memory_space<hbm>> -> memref<64xf32, #tpu.memory_space<hbm>>
      %dma_start3A_312 = tpu.memref_slice %arg6[%run_scoped3A_306, %mul3A_2] : memref<3x2048xf32, #tpu.memory_space<hbm>> -> memref<1x64xf32, #tpu.memory_space<hbm>>
      %dma_start3A_313 = tpu.memref_squeeze %dma_start3A_312 : memref<1x64xf32, #tpu.memory_space<hbm>> -> memref<64xf32, #tpu.memory_space<hbm>>
      tpu.enqueue_dma source(%arg21 : memref<64xf32, #tpu.memory_space<vmem>>) target(%dma_start3A_313 : memref<64xf32, #tpu.memory_space<hbm>>) target_semaphore(%run_scoped3A_309 : memref<!tpu.dma_semaphore, #tpu.memory_space<semaphore_mem>>)
      %dma_wait3A_314 = tpu.memref_slice %arg6[%run_scoped3A_306, %mul3A_2] : memref<3x2048xf32, #tpu.memory_space<hbm>> -> memref<1x64xf32, #tpu.memory_space<hbm>>
      %dma_wait3A_315 = tpu.memref_squeeze %dma_wait3A_314 : memref<1x64xf32, #tpu.memory_space<hbm>> -> memref<64xf32, #tpu.memory_space<hbm>>
      %dma_wait3A_316 = tpu.memref_slice %arg6[%run_scoped3A_306, %mul3A_2] : memref<3x2048xf32, #tpu.memory_space<hbm>> -> memref<1x64xf32, #tpu.memory_space<hbm>>
      %dma_wait3A_317 = tpu.memref_squeeze %dma_wait3A_316 : memref<1x64xf32, #tpu.memory_space<hbm>> -> memref<64xf32, #tpu.memory_space<hbm>>
      tpu.wait_dma2 semaphore(%run_scoped3A_309 : memref<!tpu.dma_semaphore, #tpu.memory_space<semaphore_mem>>) src(%arg21 : memref<64xf32, #tpu.memory_space<vmem>>) dst(%dma_wait3A_317 : memref<64xf32, #tpu.memory_space<hbm>>)
      tpu.yield
    }) : () -> ()
    %run_scoped3A_307 = arith.constant 1 : i32
    "tpu.region"() ({
      %run_scoped3A_309 = tpu.sem_alloc : memref<!tpu.dma_semaphore, #tpu.memory_space<semaphore_mem>>
      %dma_start3A_310 = tpu.memref_slice %arg6[%run_scoped3A_307, %mul3A_2] : memref<3x2048xf32, #tpu.memory_space<hbm>> -> memref<1x64xf32, #tpu.memory_space<hbm>>
      %dma_start3A_311 = tpu.memref_squeeze %dma_start3A_310 : memref<1x64xf32, #tpu.memory_space<hbm>> -> memref<64xf32, #tpu.memory_space<hbm>>
      %dma_start3A_312 = tpu.memref_slice %arg6[%run_scoped3A_307, %mul3A_2] : memref<3x2048xf32, #tpu.memory_space<hbm>> -> memref<1x64xf32, #tpu.memory_space<hbm>>
      %dma_start3A_313 = tpu.memref_squeeze %dma_start3A_312 : memref<1x64xf32, #tpu.memory_space<hbm>> -> memref<64xf32, #tpu.memory_space<hbm>>
      tpu.enqueue_dma source(%arg22 : memref<64xf32, #tpu.memory_space<vmem>>) target(%dma_start3A_313 : memref<64xf32, #tpu.memory_space<hbm>>) target_semaphore(%run_scoped3A_309 : memref<!tpu.dma_semaphore, #tpu.memory_space<semaphore_mem>>)
      %dma_wait3A_314 = tpu.memref_slice %arg6[%run_scoped3A_307, %mul3A_2] : memref<3x2048xf32, #tpu.memory_space<hbm>> -> memref<1x64xf32, #tpu.memory_space<hbm>>
      %dma_wait3A_315 = tpu.memref_squeeze %dma_wait3A_314 : memref<1x64xf32, #tpu.memory_space<hbm>> -> memref<64xf32, #tpu.memory_space<hbm>>
      %dma_wait3A_316 = tpu.memref_slice %arg6[%run_scoped3A_307, %mul3A_2] : memref<3x2048xf32, #tpu.memory_space<hbm>> -> memref<1x64xf32, #tpu.memory_space<hbm>>
      %dma_wait3A_317 = tpu.memref_squeeze %dma_wait3A_316 : memref<1x64xf32, #tpu.memory_space<hbm>> -> memref<64xf32, #tpu.memory_space<hbm>>
      tpu.wait_dma2 semaphore(%run_scoped3A_309 : memref<!tpu.dma_semaphore, #tpu.memory_space<semaphore_mem>>) src(%arg22 : memref<64xf32, #tpu.memory_space<vmem>>) dst(%dma_wait3A_317 : memref<64xf32, #tpu.memory_space<hbm>>)
      tpu.yield
    }) : () -> ()
    %run_scoped3A_308 = arith.constant 2 : i32
    "tpu.region"() ({
      %run_scoped3A_309 = tpu.sem_alloc : memref<!tpu.dma_semaphore, #tpu.memory_space<semaphore_mem>>
      %dma_start3A_310 = tpu.memref_slice %arg6[%run_scoped3A_308, %mul3A_2] : memref<3x2048xf32, #tpu.memory_space<hbm>> -> memref<1x64xf32, #tpu.memory_space<hbm>>
      %dma_start3A_311 = tpu.memref_squeeze %dma_start3A_310 : memref<1x64xf32, #tpu.memory_space<hbm>> -> memref<64xf32, #tpu.memory_space<hbm>>
      %dma_start3A_312 = tpu.memref_slice %arg6[%run_scoped3A_308, %mul3A_2] : memref<3x2048xf32, #tpu.memory_space<hbm>> -> memref<1x64xf32, #tpu.memory_space<hbm>>
      %dma_start3A_313 = tpu.memref_squeeze %dma_start3A_312 : memref<1x64xf32, #tpu.memory_space<hbm>> -> memref<64xf32, #tpu.memory_space<hbm>>
      tpu.enqueue_dma source(%arg23 : memref<64xf32, #tpu.memory_space<vmem>>) target(%dma_start3A_313 : memref<64xf32, #tpu.memory_space<hbm>>) target_semaphore(%run_scoped3A_309 : memref<!tpu.dma_semaphore, #tpu.memory_space<semaphore_mem>>)
      %dma_wait3A_314 = tpu.memref_slice %arg6[%run_scoped3A_308, %mul3A_2] : memref<3x2048xf32, #tpu.memory_space<hbm>> -> memref<1x64xf32, #tpu.memory_space<hbm>>
      %dma_wait3A_315 = tpu.memref_squeeze %dma_wait3A_314 : memref<1x64xf32, #tpu.memory_space<hbm>> -> memref<64xf32, #tpu.memory_space<hbm>>
      %dma_wait3A_316 = tpu.memref_slice %arg6[%run_scoped3A_308, %mul3A_2] : memref<3x2048xf32, #tpu.memory_space<hbm>> -> memref<1x64xf32, #tpu.memory_space<hbm>>
      %dma_wait3A_317 = tpu.memref_squeeze %dma_wait3A_316 : memref<1x64xf32, #tpu.memory_space<hbm>> -> memref<64xf32, #tpu.memory_space<hbm>>
      tpu.wait_dma2 semaphore(%run_scoped3A_309 : memref<!tpu.dma_semaphore, #tpu.memory_space<semaphore_mem>>) src(%arg23 : memref<64xf32, #tpu.memory_space<vmem>>) dst(%dma_wait3A_317 : memref<64xf32, #tpu.memory_space<hbm>>)
      tpu.yield
    }) : () -> ()
    return
  }
}

module attributes {stable_mosaic.version = 14 : i64} {
  func.func @_fix_body(%arg0: memref<1x2048xi32, #tpu.memory_space<vmem>>, %arg1: memref<1x2048xi32, #tpu.memory_space<vmem>>, %arg2: memref<1x2048xf32, #tpu.memory_space<vmem>>, %arg3: memref<8x2048xf32, #tpu.memory_space<vmem>>) attributes {dimension_semantics = [], scalar_prefetch = 0 : i64, scratch_operands = 0 : i64, tpu.core_type = #tpu.core_type<tc>} {
    %get3A = arith.constant 0 : index
    %get3A_0 = arith.constant 0 : index
    %get3A_1 = vector.load %arg0[%get3A, %get3A_0] : memref<1x2048xi32, #tpu.memory_space<vmem>>, vector<1x2048xi32>
    %get3A_2 = arith.constant 0 : index
    %get3A_3 = arith.constant 0 : index
    %get3A_4 = vector.load %arg1[%get3A_2, %get3A_3] : memref<1x2048xi32, #tpu.memory_space<vmem>>, vector<1x2048xi32>
    %get3A_5 = arith.constant 0 : index
    %get3A_6 = arith.constant 0 : index
    %get3A_7 = vector.load %arg2[%get3A_5, %get3A_6] : memref<1x2048xf32, #tpu.memory_space<vmem>>, vector<1x2048xf32>
    %sub3A = arith.constant 1.000000e+00 : f32
    %sub3A_8 = vector.broadcast %sub3A : f32 to vector<1x2048xf32>
    %sub3A_9 = arith.subf %sub3A_8, %get3A_7 : vector<1x2048xf32>
    %mul3A = arith.constant 0.899999976 : f32
    %mul3A_10 = vector.broadcast %mul3A : f32 to vector<1x2048xf32>
    %mul3A_11 = arith.mulf %mul3A_10, %sub3A_9 : vector<1x2048xf32>
    %mul3A_12 = arith.constant 0.899999976 : f32
    %mul3A_13 = vector.broadcast %mul3A_12 : f32 to vector<1x2048xf32>
    %mul3A_14 = arith.mulf %get3A_7, %mul3A_13 : vector<1x2048xf32>
    %ne3A = arith.constant 0 : i32
    %ne3A_15 = vector.broadcast %ne3A : i32 to vector<1x2048xi32>
    %ne3A_16 = arith.cmpi ne, %get3A_1, %ne3A_15 : vector<1x2048xi32>
    %add3A = arith.constant 3.12519524E-6 : f32
    %add3A_17 = vector.broadcast %add3A : f32 to vector<1x2048xf32>
    %add3A_18 = arith.addf %add3A_17, %mul3A_14 : vector<1x2048xf32>
    %jit3A = arith.constant 0.000000e+00 : f32
    %broadcast_in_dim3A = vector.broadcast %jit3A : f32 to vector<1x2048xf32>
    %select_n3A = arith.select %ne3A_16, %add3A_18, %broadcast_in_dim3A : vector<1x2048xi1>, vector<1x2048xf32>
    %eq3A = arith.cmpi eq, %get3A_4, %get3A_1 : vector<1x2048xi32>
    %jit3A_19 = arith.constant 0.000000e+00 : f32
    %broadcast_in_dim3A_20 = vector.broadcast %jit3A_19 : f32 to vector<1x2048xf32>
    %select_n3A_21 = arith.select %eq3A, %mul3A_14, %broadcast_in_dim3A_20 : vector<1x2048xi1>, vector<1x2048xf32>
    %add3A_22 = arith.addf %mul3A_11, %select_n3A_21 : vector<1x2048xf32>
    %jit3A_23 = arith.constant 0.000000e+00 : f32
    %broadcast_in_dim3A_24 = vector.broadcast %jit3A_23 : f32 to vector<1x2048xf32>
    %select_n3A_25 = arith.select %ne3A_16, %add3A_22, %broadcast_in_dim3A_24 : vector<1x2048xi1>, vector<1x2048xf32>
    %eq3A_26 = arith.constant 0 : i32
    %eq3A_27 = vector.broadcast %eq3A_26 : i32 to vector<1x2048xi32>
    %eq3A_28 = arith.cmpi eq, %get3A_4, %eq3A_27 : vector<1x2048xi32>
    %and3A = arith.andi %ne3A_16, %eq3A_28 : vector<1x2048xi1>
    %jit3A_29 = arith.constant 0.000000e+00 : f32
    %broadcast_in_dim3A_30 = vector.broadcast %jit3A_29 : f32 to vector<1x2048xf32>
    %select_n3A_31 = arith.select %and3A, %mul3A_14, %broadcast_in_dim3A_30 : vector<1x2048xi1>, vector<1x2048xf32>
    %broadcast_in_dim3A_32 = arith.constant 0.000000e+00 : f32
    %broadcast_in_dim3A_33 = vector.broadcast %broadcast_in_dim3A_32 : f32 to vector<1x2048xf32>
    %gt3A = arith.constant 0.000000e+00 : f32
    %gt3A_34 = vector.broadcast %gt3A : f32 to vector<1x2048xf32>
    %gt3A_35 = arith.cmpf ogt, %select_n3A, %gt3A_34 : vector<1x2048xf32>
    %jit3A_36 = arith.constant 1.000000e+00 : f32
    %broadcast_in_dim3A_37 = vector.broadcast %jit3A_36 : f32 to vector<1x2048xf32>
    %select_n3A_38 = arith.select %gt3A_35, %select_n3A, %broadcast_in_dim3A_37 : vector<1x2048xi1>, vector<1x2048xf32>
    %log3A = math.log %select_n3A_38 : vector<1x2048xf32>
    %mul3A_39 = arith.mulf %select_n3A, %log3A : vector<1x2048xf32>
    %gt3A_40 = arith.constant 0.000000e+00 : f32
    %gt3A_41 = vector.broadcast %gt3A_40 : f32 to vector<1x2048xf32>
    %gt3A_42 = arith.cmpf ogt, %select_n3A_25, %gt3A_41 : vector<1x2048xf32>
    %jit3A_43 = arith.constant 1.000000e+00 : f32
    %broadcast_in_dim3A_44 = vector.broadcast %jit3A_43 : f32 to vector<1x2048xf32>
    %select_n3A_45 = arith.select %gt3A_42, %select_n3A_25, %broadcast_in_dim3A_44 : vector<1x2048xi1>, vector<1x2048xf32>
    %log3A_46 = math.log %select_n3A_45 : vector<1x2048xf32>
    %mul3A_47 = arith.mulf %select_n3A_25, %log3A_46 : vector<1x2048xf32>
    %gt3A_48 = arith.constant 0.000000e+00 : f32
    %gt3A_49 = vector.broadcast %gt3A_48 : f32 to vector<1x2048xf32>
    %gt3A_50 = arith.cmpf ogt, %select_n3A_31, %gt3A_49 : vector<1x2048xf32>
    %jit3A_51 = arith.constant 1.000000e+00 : f32
    %broadcast_in_dim3A_52 = vector.broadcast %jit3A_51 : f32 to vector<1x2048xf32>
    %select_n3A_53 = arith.select %gt3A_50, %select_n3A_31, %broadcast_in_dim3A_52 : vector<1x2048xi1>, vector<1x2048xf32>
    %log3A_54 = math.log %select_n3A_53 : vector<1x2048xf32>
    %mul3A_55 = arith.mulf %select_n3A_31, %log3A_54 : vector<1x2048xf32>
    %concatenate3A = tpu.concatenate %select_n3A, %mul3A_39, %select_n3A_25, %mul3A_47, %select_n3A_31, %mul3A_55, %broadcast_in_dim3A_33, %broadcast_in_dim3A_33 in 0 : vector<1x2048xf32>, vector<1x2048xf32>, vector<1x2048xf32>, vector<1x2048xf32>, vector<1x2048xf32>, vector<1x2048xf32>, vector<1x2048xf32>, vector<1x2048xf32> -> vector<8x2048xf32>
    %swap3A = arith.constant 0 : index
    %swap3A_56 = arith.constant 0 : index
    %swap3A_57 = vector.load %arg3[%swap3A, %swap3A_56] : memref<8x2048xf32, #tpu.memory_space<vmem>>, vector<8x2048xf32>
    tpu.vector_store %arg3[%swap3A, %swap3A_56], %concatenate3A {strides = array<i32>} : memref<8x2048xf32, #tpu.memory_space<vmem>>, vector<8x2048xf32>,
    return
  }
}

module attributes {stable_mosaic.version = 14 : i64} {
  func.func @_stream_body(%arg0: i32, %arg1: i32, %arg2: memref<256x1xi32, #tpu.memory_space<vmem>>, %arg3: memref<256x1xi32, #tpu.memory_space<vmem>>, %arg4: memref<256x1xf32, #tpu.memory_space<vmem>>, %arg5: memref<256x1xf32, #tpu.memory_space<vmem>>, %arg6: memref<256x1xf32, #tpu.memory_space<vmem>>, %arg7: memref<256x6400xf32, #tpu.memory_space<vmem>>, %arg8: memref<256x6400xf32, #tpu.memory_space<vmem>>) attributes {dimension_semantics = [#tpu.dimension_semantics<parallel>, #tpu.dimension_semantics<parallel>], iteration_bounds = array<i64: 8, 5>, scalar_prefetch = 0 : i64, scratch_operands = 0 : i64, tpu.core_type = #tpu.core_type<tc>, window_params = [{transform_indices = @transform_0, window_bounds = array<i64: 256, 1>}, {transform_indices = @transform_1, window_bounds = array<i64: 256, 1>}, {transform_indices = @transform_2, window_bounds = array<i64: 256, 1>}, {transform_indices = @transform_3, window_bounds = array<i64: 256, 1>}, {transform_indices = @transform_4, window_bounds = array<i64: 256, 1>}, {transform_indices = @transform_5, window_bounds = array<i64: 256, 6400>}, {transform_indices = @transform_6, window_bounds = array<i64: 256, 6400>}]} {
    %get3A = arith.constant 0 : index
    %get3A_0 = arith.constant 0 : index
    %get3A_1 = vector.load %arg2[%get3A, %get3A_0] : memref<256x1xi32, #tpu.memory_space<vmem>>, vector<256x1xi32>
    %get3A_2 = arith.constant 0 : index
    %get3A_3 = arith.constant 0 : index
    %get3A_4 = vector.load %arg3[%get3A_2, %get3A_3] : memref<256x1xi32, #tpu.memory_space<vmem>>, vector<256x1xi32>
    %get3A_5 = arith.constant 0 : index
    %get3A_6 = arith.constant 0 : index
    %get3A_7 = vector.load %arg4[%get3A_5, %get3A_6] : memref<256x1xf32, #tpu.memory_space<vmem>>, vector<256x1xf32>
    %get3A_8 = arith.constant 0 : index
    %get3A_9 = arith.constant 0 : index
    %get3A_10 = vector.load %arg5[%get3A_8, %get3A_9] : memref<256x1xf32, #tpu.memory_space<vmem>>, vector<256x1xf32>
    %get3A_11 = arith.constant 0 : index
    %get3A_12 = arith.constant 0 : index
    %get3A_13 = vector.load %arg6[%get3A_11, %get3A_12] : memref<256x1xf32, #tpu.memory_space<vmem>>, vector<256x1xf32>
    %ne3A = arith.constant 0 : i32
    %ne3A_14 = vector.broadcast %ne3A : i32 to vector<256x1xi32>
    %ne3A_15 = arith.cmpi ne, %get3A_1, %ne3A_14 : vector<256x1xi32>
    %jit3A = arith.constant -3.96150172E-5 : f32
    %jit3A_16 = arith.constant 0.000000e+00 : f32
    %broadcast_in_dim3A = vector.broadcast %jit3A : f32 to vector<256x1xf32>
    %broadcast_in_dim3A_17 = vector.broadcast %jit3A_16 : f32 to vector<256x1xf32>
    %select_n3A = arith.select %ne3A_15, %broadcast_in_dim3A, %broadcast_in_dim3A_17 : vector<256x1xi1>, vector<256x1xf32>
    %jit3A_18 = arith.constant 3.12519524E-6 : f32
    %jit3A_19 = arith.constant 0.000000e+00 : f32
    %broadcast_in_dim3A_20 = vector.broadcast %jit3A_18 : f32 to vector<256x1xf32>
    %broadcast_in_dim3A_21 = vector.broadcast %jit3A_19 : f32 to vector<256x1xf32>
    %select_n3A_22 = arith.select %ne3A_15, %broadcast_in_dim3A_20, %broadcast_in_dim3A_21 : vector<256x1xi1>, vector<256x1xf32>
    %get3A_23 = arith.constant 0 : index
    %get3A_24 = arith.constant 0 : index
    %get3A_25 = vector.load %arg7[%get3A_23, %get3A_24] : memref<256x6400xf32, #tpu.memory_space<vmem>>, vector<256x6400xf32>
    %iota3A = tpu.iota {dimensions = array<i32: 1>} : vector<256x6400xi32>
    %mul3A = arith.constant 6400 : i32
    %mul3A_26 = arith.muli %arg1, %mul3A : i32
    %add3A = vector.broadcast %mul3A_26 : i32 to vector<256x6400xi32>
    %add3A_27 = arith.addi %iota3A, %add3A : vector<256x6400xi32>
    %mul3A_28 = vector.broadcast %select_n3A_22 : vector<256x1xf32> to vector<256x6400xf32>
    %mul3A_29 = arith.mulf %mul3A_28, %get3A_25 : vector<256x6400xf32>
    %sub3A = vector.broadcast %select_n3A : vector<256x1xf32> to vector<256x6400xf32>
    %sub3A_30 = arith.subf %sub3A, %mul3A_29 : vector<256x6400xf32>
    %eq3A = vector.broadcast %get3A_4 : vector<256x1xi32> to vector<256x6400xi32>
    %eq3A_31 = arith.cmpi eq, %add3A_27, %eq3A : vector<256x6400xi32>
    %broadcast_in_dim3A_32 = vector.shape_cast %get3A_7 : vector<256x1xf32> to vector<256x1xf32>
    %broadcast_in_dim3A_33 = vector.broadcast %broadcast_in_dim3A_32 : vector<256x1xf32> to vector<256x6400xf32>
    %select_n3A_34 = arith.select %eq3A_31, %broadcast_in_dim3A_33, %sub3A_30 : vector<256x6400xi1>, vector<256x6400xf32>
    %eq3A_35 = vector.broadcast %get3A_1 : vector<256x1xi32> to vector<256x6400xi32>
    %eq3A_36 = arith.cmpi eq, %add3A_27, %eq3A_35 : vector<256x6400xi32>
    %broadcast_in_dim3A_37 = vector.shape_cast %get3A_10 : vector<256x1xf32> to vector<256x1xf32>
    %broadcast_in_dim3A_38 = vector.broadcast %broadcast_in_dim3A_37 : vector<256x1xf32> to vector<256x6400xf32>
    %select_n3A_39 = arith.select %eq3A_36, %broadcast_in_dim3A_38, %select_n3A_34 : vector<256x6400xi1>, vector<256x6400xf32>
    %eq3A_40 = arith.constant 0 : i32
    %eq3A_41 = vector.broadcast %eq3A_40 : i32 to vector<256x6400xi32>
    %eq3A_42 = arith.cmpi eq, %add3A_27, %eq3A_41 : vector<256x6400xi32>
    %broadcast_in_dim3A_43 = vector.shape_cast %get3A_13 : vector<256x1xf32> to vector<256x1xf32>
    %broadcast_in_dim3A_44 = vector.broadcast %broadcast_in_dim3A_43 : vector<256x1xf32> to vector<256x6400xf32>
    %select_n3A_45 = arith.select %eq3A_42, %broadcast_in_dim3A_44, %select_n3A_39 : vector<256x6400xi1>, vector<256x6400xf32>
    %swap3A = arith.constant 0 : index
    %swap3A_46 = arith.constant 0 : index
    %swap3A_47 = vector.load %arg8[%swap3A, %swap3A_46] : memref<256x6400xf32, #tpu.memory_space<vmem>>, vector<256x6400xf32>
    tpu.vector_store %arg8[%swap3A, %swap3A_46], %select_n3A_45 {strides = array<i32>} : memref<256x6400xf32, #tpu.memory_space<vmem>>, vector<256x6400xf32>,
    return
  }
  func.func @transform_0(%arg0: i32, %arg1: i32) -> (i32, i32) {
    %c0_i32 = arith.constant 0 : i32
    %c0_i32_0 = arith.constant 0 : i32
    return %arg0, %c0_i32 : i32, i32
  }
  func.func @transform_1(%arg0: i32, %arg1: i32) -> (i32, i32) {
    %c0_i32 = arith.constant 0 : i32
    %c0_i32_0 = arith.constant 0 : i32
    return %arg0, %c0_i32 : i32, i32
  }
  func.func @transform_2(%arg0: i32, %arg1: i32) -> (i32, i32) {
    %c0_i32 = arith.constant 0 : i32
    %c0_i32_0 = arith.constant 0 : i32
    return %arg0, %c0_i32 : i32, i32
  }
  func.func @transform_3(%arg0: i32, %arg1: i32) -> (i32, i32) {
    %c0_i32 = arith.constant 0 : i32
    %c0_i32_0 = arith.constant 0 : i32
    return %arg0, %c0_i32 : i32, i32
  }
  func.func @transform_4(%arg0: i32, %arg1: i32) -> (i32, i32) {
    %c0_i32 = arith.constant 0 : i32
    %c0_i32_0 = arith.constant 0 : i32
    return %arg0, %c0_i32 : i32, i32
  }
  func.func @transform_5(%arg0: i32, %arg1: i32) -> (i32, i32) {
    %c0_i32 = arith.constant 0 : i32
    return %arg0, %arg1 : i32, i32
  }
  func.func @transform_6(%arg0: i32, %arg1: i32) -> (i32, i32) {
    %c0_i32 = arith.constant 0 : i32
    return %arg0, %arg1 : i32, i32
  }
}

</mosaic_0001>

<sc_bundles>
// kernel: kernel.5.cloned.1.call-start
scs
__scs_entry_jumppad:
0x0: {  	(pc) =	sbr.rel $0x88, $3  }
0x1: {  	(tag) =	ssettag $0x0;
	lr =	simm.s32 $0x1  }
0x2: {  	[smem:$0x3F9D] =	sst lr;
	_ =	strace $0xD0000000  }
0x3: {  	_ = 	snop  }
0x4: {  	_ = 	snop  }
0x5: {  	_ = 	snop  }
0x6: {  	_ = 	snop  }
0x7: {  	_ = 	snop  }
__scs_overlays_trampoline_lowered:
0x8: {  	[smem:$0x3FAC] =	sst s0  }
0x9: {  	[smem:$0x3FAD] =	sst s1  }
0xa: {  	[smem:$0x3FAE] =	sst s2  }
0xb: {  	[smem:$0x3FAF] =	sst s3  }
0xc: {  	[smem:$0x3FB0] =	sst s4  }
0xd: {  	[smem:$0x3FB1] =	sst s5  }
0xe: {  	[smem:$0x3FB2] =	sst s6  }
0xf: {  	[smem:$0x3FB3] =	sst s7  }
0x10: {  	[smem:$0x3FB4] =	sst s8  }
0x11: {  	[smem:$0x3FB5] =	sst s9;
	s0 =	simm.s32 @!p0 $0x0  }
0x12: {  	s1 =	sld [smem:$0x3F9B];
	s0 =	simm.s32 @p0 $0x1  }
0x13: {  	[smem:$0x3FB6] =	sst s0;
	s0 =	simm.s32 @!p1 $0x0  }
0x14: {  	s2 =	sld [smem:$0x3F9A];
	s0 =	simm.s32 @p1 $0x1  }
0x15: {  	[smem:$0x3FB7] =	sst s0;
	s0 =	simm.s32 @!p2 $0x0  }
0x16: {  	s3 =	sld [smem:$0x3FDB];
	s0 =	simm.s32 @p2 $0x1  }
0x17: {  	s4 =	simm.s32 $0x1BF5;
	[smem:$0x3FB9] =	sst s0  }
0x18: {  	s0 =	sld [smem:$0x3F9C];
	_ =	swait.ge [sflag:s4], $0x0  }
0x19: {  	s7 =	sld [smem:$0x3F9D]  }
0x1a: {  	s8 =	sadd.s32 $0xFFFFE003, lr  }
0x1b: {  	s9 =	sadd.s32 $0xFFFFFEF7, lr;
	s5 =	simm.s32 $0xFFFFFFFF;
	p2 =	slt.u32 s8, $0xFFFFF086  }
0x1c: {  	p1 =	slt.u32 s9, $0xF7A;
	s5 =	simm.s32 @!p2 $0x0  }
0x1d: {  	s5 =	simm.s32 @p1 $0x1;
	p0 =	seq.s32 s7, s2  }
0x1e: {  	s7 =	smul.u32 @!p0 $0xF7A, s2;
	p2 =	seq.s32 @!p0 s5, $0x0  }
0x1f: {  	s9 =	smul.u32 $0xF7A, s1;
	s8 =	simm.s32 @!p0 $0x1BF5;
	p2 =	por !p2, p0  }
0x20: {  	[sflag:s8] =	ssyncset.s32 @!p0 $0xFFFFF086;
	s6 =	sadd.s32 @!p0 s3, s7;
	s7 =	simm.s32 @!p0 $0x108  }
0x21: {  	s3 =	sadd.s32 s3, s9;
	s6 =	sadd.s32 @!p0 $0x88, s6;
	s7 =	simm.s32 @p2 $0x1082  }
0x22: {  	[simem:s7], [sflag:s8] =	dma.local @!p0 [hbm:s6], $0xF7A  }
0x23: {  	s9 =	sor.u32 $0xD0000000, s2;
	s6 =	simm.s32 $0x108;
	_ =	swait.ge @!p0 [sflag:s8], $0x0  }
0x24: {  	s3 =	sadd.s32 $0x88, s3;
	s6 =	simm.s32 @!p1 $0x1082;
	[sflag:s4] =	ssyncset.s32 $0xFFFFF086  }
0x25: {  	[simem:s6], [sflag:s4] =	dma.local [hbm:s3], $0xF7A  }
0x26: {  	[smem:$0x3F9D] =	sst s1;
	(tag) =	ssettag s2;
	_ =	strace s9  }
0x27: {  	s1 =	sld [smem:$0x3FAD]  }
0x28: {  	s2 =	sld [smem:$0x3FAE]  }
0x29: {  	s4 =	sld [smem:$0x3FB0]  }
0x2a: {  	p0 =	seq.s32 s5, $0x0;
	s5 =	sld [smem:$0x3FB1]  }
0x2b: {  	s6 =	sld [smem:$0x3FB2]  }
0x2c: {  	s7 =	sld [smem:$0x3FB3]  }
0x2d: {  	s3 =	simm.s32 $0x108;
	s8 =	sld [smem:$0x3FB4]  }
0x2e: {  	s3 =	simm.s32 @!p0 $0x1082;
	s9 =	sld [smem:$0x3FB5]  }
0x2f: {  	lr =	sadd.s32 s0, s3;
	s0 =	sld [smem:$0x3FAC]  }
0x30: {  	s3 =	sld [smem:$0x3FAF]  }
0x31: {  	[smem:$0x3FB8] =	sst s10  }
0x32: {  	s10 =	sld [smem:$0x3FB6];
	_ =	sdelay $0x3  }
0x33: {  	p0 =	seq.s32 s10, $0x1;
	s10 =	sld [smem:$0x3FB8];
	_ =	sdelay $0x3  }
0x34: {  	[smem:$0x3FB8] =	sst s10  }
0x35: {  	s10 =	sld [smem:$0x3FB7];
	_ =	sdelay $0x3  }
0x36: {  	p1 =	seq.s32 s10, $0x1;
	s10 =	sld [smem:$0x3FB8];
	_ =	sdelay $0x3  }
0x37: {  	[smem:$0x3FB8] =	sst s10  }
0x38: {  	s10 =	sld [smem:$0x3FB9]  }
0x39: {  	_ = 	snop;
	(pc) =	sbr.ind lr, $3  }
0x3a: {  	_ = 	snop  }
0x3b: {  	_ = 	snop  }
0x3c: {  	p2 =	seq.s32 s10, $0x1;
	s10 =	sld [smem:$0x3FB8]  }
0x3d: {  	_ =	shalt  }
0x3e: {  	_ =	shalt  }
0x3f: {  	_ =	shalt  }
0x40: {  	_ =	shalt  }
0x41: {  	_ =	shalt  }
0x42: {  	_ =	shalt  }
0x43: {  	_ =	shalt  }
0x44: {  	_ =	shalt  }
0x45: {  	_ =	shalt  }
0x46: {  	_ =	shalt  }
0x47: {  	_ =	shalt  }
0x48: {  	_ =	shalt  }
0x49: {  	_ =	shalt  }
0x4a: {  	_ =	shalt  }
0x4b: {  	_ =	shalt  }
0x4c: {  	_ =	shalt  }
0x4d: {  	_ =	shalt  }
0x4e: {  	_ =	shalt  }
0x4f: {  	_ =	shalt  }
0x50: {  	_ =	shalt  }
0x51: {  	_ =	shalt  }
0x52: {  	_ =	shalt  }
0x53: {  	_ =	shalt  }
0x54: {  	_ =	shalt  }
0x55: {  	_ =	shalt  }
0x56: {  	_ =	shalt  }
0x57: {  	_ =	shalt  }
0x58: {  	_ =	shalt  }
0x59: {  	_ =	shalt  }
0x5a: {  	_ =	shalt  }
0x5b: {  	_ =	shalt  }
0x5c: {  	_ =	shalt  }
0x5d: {  	_ =	shalt  }
0x5e: {  	_ =	shalt  }
0x5f: {  	_ =	shalt  }
0x60: {  	_ =	shalt  }
0x61: {  	_ =	shalt  }
0x62: {  	_ =	shalt  }
0x63: {  	_ =	shalt  }
0x64: {  	_ =	shalt  }
0x65: {  	_ =	shalt  }
0x66: {  	_ =	shalt  }
0x67: {  	_ =	shalt  }
0x68: {  	_ =	shalt  }
0x69: {  	_ =	shalt  }
0x6a: {  	_ =	shalt  }
0x6b: {  	_ =	shalt  }
0x6c: {  	_ =	shalt  }
0x6d: {  	_ =	shalt  }
0x6e: {  	_ =	shalt  }
0x6f: {  	_ =	shalt  }
0x70: {  	_ =	shalt  }
0x71: {  	_ =	shalt  }
0x72: {  	_ =	shalt  }
0x73: {  	_ =	shalt  }
0x74: {  	_ =	shalt  }
0x75: {  	_ =	shalt  }
0x76: {  	_ =	shalt  }
0x77: {  	_ =	shalt  }
0x78: {  	_ =	shalt  }
0x79: {  	_ =	shalt  }
0x7a: {  	_ =	shalt  }
0x7b: {  	_ =	shalt  }
0x7c: {  	_ =	shalt  }
0x7d: {  	_ =	shalt  }
0x7e: {  	_ =	shalt  }
0x7f: {  	_ =	shalt  }
0x80: {  	_ =	shalt  }
0x81: {  	_ =	shalt  }
0x82: {  	_ =	shalt  }
0x83: {  	_ =	shalt  }
0x84: {  	_ =	shalt  }
0x85: {  	_ =	shalt  }
0x86: {  	_ =	shalt  }
0x87: {  	_ =	shalt  }
.Lfunc_end0:
.L_simem_size_0:
called_computation_lowered:
.L_overlay_start_0:
0x88: {  	s2 =	sld [smem:$0x3FD9]  }
0x89: {  	s3 =	sld [smem:$0x3FFE];
	_ =	sdelay $0x1  }
0x8a: {  	s1 =	srdreg.scid  }
0x8b: {  	s0 =	sand.u32 $0x1, s1  }
0x8c: {  	s17 =	sshll.u32 s0, $0xA;
	s2 =	sadd.s32 s3, s2  }
0x8d: {  	s2 =	sadd.s32 s2, s17  }
0x8e: {  	[smem:$0x3FC4] =	sst s2  }
0x8f: {  	_ = 	snop  }
0x90: {  	s2 =	sld [smem:$0x3FD0];
	(tm) =	ssettm $0x1  }
0x91: {  	s18 =	sld [smem:$0x3FFB];
	_ =	sdelay $0x3  }
0x92: {  	_ =	strace s18  }
0x93: {  	s3 =	sld [smem:$0x3FFC];
	_ =	sdelay $0x3  }
0x94: {  	_ =	strace s3  }
0x95: {  	s3 =	sld [smem:$0x3FFD];
	_ =	sdelay $0x3  }
0x96: {  	_ =	strace s3  }
0x97: {  	_ =	strace $0x8FFFFFFF  }
0x98: {  	s19 =	sld [smem:$0x3FDB];
	_ =	sdelay $0x1  }
0x99: {  	s4 =	simm.s32 $_scs_section_size  }
0x9a: {  	s5 =	simm.s32 $_size__tile_overlayer_lowered;
	s6 =	simm.s32 $_tile_overlayer_lowered  }
0x9b: {  	s22 =	simm.s32 $0x1BFF;
	s21 =	sshll.u32 s6, $0x1;
	s3 =	sadd.s32 s4, s19  }
0x9c: {  	s7 =	simm.s32 $0x0;
	s20 =	sshll.u32 s5, $0x1;
	s5 =	sadd.s32 s21, s3  }
0x9d: {  	[timem:s7], [sflag:s22] =	dma.local [hbm:s5], s20  }
0x9e: {  	_ =	swait.ge [sflag:s22], s20  }
0x9f: {  	s4 =	ssub.s32 $0x0, s20;
	[sflag:s22] =	ssyncset.done $0x0  }
0xa0: {  	[sflag:s22] =	ssyncadd.s32 s4;
	_ =	sdelay $0x1  }
0xa1: {  	s23 =	simm.s32 $0x1B8B  }
0xa2: {  	_ =	swait.ge [sflag:s23], $0x1  }
0xa3: {  	[sflag:s23] =	ssyncset.done $0x0  }
0xa4: {  	s25 =	simm.s32 $0x1B8E;
	s24 =	sld [smem:$0x3FFE];
	[sflag:s23] =	ssyncadd.s32 $0xFFFFFFFF  }
0xa5: {  	s26 =	simm.s32 $execute0_lowered;
	[smem:$0x3FD2] =	sst s25  }
0xa6: {  	s5 =	sshll.u32 s26, $0x1;
	_ =	strace $0x80000046;
	[dreg:$0x1] =	wrdreg $0xFFFFFFFF  }
0xa7: {  	s28 =	simm.s32 $_size_execute0_lowered;
	s3 =	sadd.s32 s3, s5;
	[dreg:$0x0] =	wrdreg $0x0  }
0xa8: {  	s5 =	sshll.u32 s28, $0x1;
	[dreg:$0x2] =	wrdreg s3  }
0xa9: {  	[dreg:$0x3] =	wrdreg s5  }
0xaa: {  	[dreg:$0x4] =	wrdreg $0xC0  }
0xab: {  	_ =	task [dreg:s7], $0x5FFFF  }
0xac: {  	[dreg:$0x1] =	wrdreg $0xFFFFFFFF  }
0xad: {  	[dreg:$0x0] =	wrdreg $0x60  }
0xae: {  	[dreg:$0x2] =	wrdreg s24  }
0xaf: {  	[dreg:$0x3] =	wrdreg s2  }
0xb0: {  	[dreg:$0x4] =	wrdreg $0x9  }
0xb1: {  	_ =	task.clear_ibuf [dreg:s7], $0x5FFFF;
	_ =	strace $0x90000046  }
0xb2: {  	s29 =	simm.s32 $0x9;
	_ =	strace $0x80000048  }
0xb3: {  	_ =	swait.ge [sflag:s29], $0x1  }
0xb4: {  	[sflag:s29] =	ssyncadd.s32 $0xFFFFFFFF  }
0xb5: {  	_ =	strace $0x90000048  }
0xb6: {  	_ =	sfence  }
0xb7: {  	s30 =	sld [smem:$0x0];
	_ =	sdelay $0x2  }
0xb8: {  	s31 =	sshll.u32 s1, $0xD;
	s1 =	sshrl.u32 s1, $0x2  }
0xb9: {  	s3 =	sand.u32 $0x4000, s31;
	s1 =	sadd.s32 s1, s30  }
0xba: {  	s0 =	sor.u32 s3, s0;
	s1 =	sshll.u32 s1, $0x11  }
0xbb: {  	s0 =	sor.u32 s1, s0  }
0xbc: {  	s0 =	sadd.s32 $0x8F2B, s0  }
0xbd: {  	[sflag:s0] =	ssyncadd.remote.s32 $0x1  }
0xbe: {  	_ =	sfence.sel $0xFFFF  }
0xbf: {  	[dreg:$0x0] =	wrdreg $0xFFFFFFFF;
	(pc) =	sbr.abs _section_cstart, $3  }
0xc0: {  	[dreg:$0x1] =	wrdreg $0xFFFFFFFF  }
0xc1: {  	_ =	task.clear_ibuf [dreg:s7], $0x2FFFF;
	_ =	strace $0x9FFFFFFF  }
0xc2: {  	(tm) =	ssettm $0x7FFFFFFF  }
0xc3: {  	_ =	shalt  }
tec
execute0_lowered:
.L_overlay_start_1:
0x0: {  	(tag) =	ssettag $0x1  }
0x1: {  	s1 =	srdreg.scid  }
0x2: {  	s0 =	stileid.u32;
	s17 =	sand.u32 $0x1, s1  }
0x3: {  	s22 =	rddreg [dreg:$0x0];
	s2 =	sshll.u32 s0, $0x7;
	s18 =	sshll.u32 s17, $0x6  }
0x4: {  	s4 =	rddreg [dreg:$0x1];
	s19 =	sor.u32 s18, s2  }
0x5: {  	s5 =	sshll.u32 s0, $0xA;
	s2 =	simm.s32 $0x0;
	s3 =	sshrl.u32 s19, $0x3  }
0x6: {  	s5 =	sor.u32 s18, s5;
	[smem:$0x7FF] =	sst s2;
	s3 =	sadd.s32 s3, s22  }
0x7: {  	s5 =	sshrl.u32 s5, $0x3;
	_ =	strace $0x80000047;
	s6 =	sadd.s32 $0x1600, s3  }
0x8: {  	s15 =	sadd.s32 s5, s22;
	s3 =	sadd.s32 $0x1200, s3;
	[dreg:$0x3] =	wrdreg s6  }
0x9: {  	s14 =	sadd.s32 $0x1800, s15;
	[dreg:$0x4] =	wrdreg s3  }
0xa: {  	[dreg:$0x5] =	wrdreg s14  }
0xb: {  	s3 =	simm.s32 $0x2;
	s13 =	rddreg [dreg:$0x3]  }
0xc: {  	[tilespmem:s2], [sflag:$0x2] =	stream.linear.gather [hbm4b:s13+s2], $0x40, $0x38;
	[tilespmem:$0x880] =	vst v63  }
0xd: {  	_ =	swait.ge [sflag:s3], $0x40  }
0xe: {  	[sflag:s3] =	ssyncset.done $0x0  }
0xf: {  	s5 =	simm.s32 $0x80;
	s16 =	rddreg [dreg:$0x4];
	[sflag:s3] =	ssyncadd.s32 $0xFFFFFFC0  }
0x10: {  	[tilespmem:s5], [sflag:$0x2] =	stream.linear.gather [hbm4b:s16+s2], $0x40, $0x38;
	[tilespmem:$0x880] =	vst v63  }
0x11: {  	_ =	swait.ge [sflag:s3], $0x40  }
0x12: {  	[sflag:s3] =	ssyncset.done $0x0  }
0x13: {  	s6 =	simm.s32 $0x100;
	s7 =	rddreg [dreg:$0x5];
	[sflag:s3] =	ssyncadd.s32 $0xFFFFFFC0  }
0x14: {  	[tilespmem:s6], [sflag:$0x2] =	stream.linear.gather [hbm4b:s7+s2], $0x40, $0x38;
	[tilespmem:$0x880] =	vst v63  }
0x15: {  	_ =	swait.ge [sflag:s3], $0x40  }
0x16: {  	[sflag:s3] =	ssyncset.done $0x0  }
0x17: {  	s8 =	simm.s32 $0x180;
	s7 =	sadd.s32 $0x1810, s15;
	[sflag:s3] =	ssyncadd.s32 $0xFFFFFFC0  }
0x18: {  	[tilespmem:s8], [sflag:$0x2] =	stream.linear.gather [hbm4b:s7+s2], $0x40, $0x38;
	[tilespmem:$0x880] =	vst v63  }
0x19: {  	_ =	swait.ge [sflag:s3], $0x40  }
0x1a: {  	[sflag:s3] =	ssyncset.done $0x0  }
0x1b: {  	s10 =	simm.s32 $0x200;
	s9 =	sadd.s32 $0x1820, s15;
	[sflag:s3] =	ssyncadd.s32 $0xFFFFFFC0  }
0x1c: {  	[tilespmem:s10], [sflag:$0x2] =	stream.linear.gather [hbm4b:s9+s2], $0x40, $0x38;
	[tilespmem:$0x880] =	vst v63  }
0x1d: {  	_ =	swait.ge [sflag:s3], $0x40  }
0x1e: {  	[sflag:s3] =	ssyncset.done $0x0  }
0x1f: {  	s12 =	simm.s32 $0x280;
	s11 =	sadd.s32 $0x1830, s15;
	[sflag:s3] =	ssyncadd.s32 $0xFFFFFFC0  }
0x20: {  	[tilespmem:s12], [sflag:$0x2] =	stream.linear.gather [hbm4b:s11+s2], $0x40, $0x38;
	[tilespmem:$0x880] =	vst v63  }
0x21: {  	_ =	swait.ge [sflag:s3], $0x40  }
0x22: {  	[sflag:s3] =	ssyncset.done $0x0  }
0x23: {  	s14 =	simm.s32 $0x300;
	s13 =	sadd.s32 $0x1840, s15;
	[sflag:s3] =	ssyncadd.s32 $0xFFFFFFC0  }
0x24: {  	[tilespmem:s14], [sflag:$0x2] =	stream.linear.gather [hbm4b:s13+s2], $0x40, $0x38;
	[tilespmem:$0x880] =	vst v63  }
0x25: {  	_ =	swait.ge [sflag:s3], $0x40  }
0x26: {  	s20 =	sor.u32 $0x20, s19;
	s21 =	sor.u32 $0x30, s19;
	[sflag:s3] =	ssyncset.done $0x0  }
0x27: {  	s16 =	simm.s32 $0x380;
	s15 =	sadd.s32 $0x1850, s15;
	[sflag:s3] =	ssyncadd.s32 $0xFFFFFFC0  }
0x28: {  	v3 =	vlaneseq.u32;
	v0 =	vmov s20;
	[tilespmem:s16], [sflag:$0x2] =	stream.linear.gather [hbm4b:s15+s2], $0x40, $0x38;
	[tilespmem:$0x880] =	vst v63  }
0x29: {  	v1 =	vmov s19;
	s19 =	sor.u32 $0x10, s19;
	v2 =	vmov s21;
	v0 =	vmul.u32 $0x7D00, v0;
	_ =	swait.ge [sflag:s3], $0x40  }
0x2a: {  	v1 =	vmul.u32 $0x7D00, v1;
	v4 =	vmov s19;
	v2 =	vmul.u32 $0x7D00, v2;
	[sflag:s3] =	ssyncset.done $0x0  }
0x2b: {  	v3 =	vmul.u32 $0x7D00, v3;
	v4 =	vmul.u32 $0x7D00, v4;
	v0 =	vbroadcast v0, $0x0;
	[sflag:s3] =	ssyncadd.s32 $0xFFFFFFC0  }
0x2c: {  	v6 =	vbroadcast v1, $0x0;
	v2 =	vbroadcast v2, $0x0;
	v5 =	vld [tilespmem:$0x80]  }
0x2d: {  	v4 =	vbroadcast v4, $0x0;
	v0 =	vadd.s32 v3, v0;
	v7 =	vld [tilespmem:$0x0]  }
0x2e: {  	v1 =	vadd.s32 v3, v2;
	v2 =	vadd.s32 v3, v6;
	[tilespmem:$0x520] =	vst v0;
	v6 =	vld [tilespmem:$0x10]  }
0x2f: {  	v3 =	vadd.s32 v3, v4;
	[tilespmem:$0x530] =	vst v1;
	v4 =	vld [tilespmem:$0x30]  }
0x30: {  	v8 =	vld [tilespmem:$0x20];
	[tilespmem:$0x500] =	vst v2  }
0x31: {  	[tilespmem:$0x510] =	vst v3;
	v9 =	vld [tilespmem:$0xB0];
	v5 =	vadd.s32 v2, v5  }
0x32: {  	v10 =	vld [tilespmem:$0xA0];
	v7 =	vadd.s32 v2, v7;
	[tilespmem:$0x400] =	vst v5  }
0x33: {  	v6 =	vadd.s32 v3, v6;
	v5 =	vld [tilespmem:$0x90];
	[tilespmem:$0x480] =	vst v7  }
0x34: {  	v4 =	vadd.s32 v1, v4;
	[tilespmem:$0x490] =	vst v6  }
0x35: {  	v7 =	vadd.s32 v0, v8;
	[tilespmem:$0x4B0] =	vst v4  }
0x36: {  	v4 =	vadd.s32 v1, v9;
	[tilespmem:$0x4A0] =	vst v7  }
0x37: {  	[tilespmem:$0x430] =	vst v4;
	v4 =	vadd.s32 v0, v10  }
0x38: {  	s23 =	simm.s32 $0x40;
	[tilespmem:$0x420] =	vst v4;
	v5 =	vadd.s32 v3, v5  }
0x39: {  	s24 =	simm.s32 $0x400;
	s25 =	simm.s32 $0x580;
	s26 =	simm.s32 $0x1;
	[tilespmem:$0x410] =	vst v5  }
0x3a: {  	[tilespmem:s25], [sflag:$0x1] =	stream.indirect.gather [hbm4b:s4+s23], $0x1, s24, s23, $0xb8;
	[tilespmem:$0x880] =	vst v63  }
0x3b: {  	_ =	swait.ge [sflag:s26], $0x40  }
0x3c: {  	[sflag:s26] =	ssyncset.done $0x0  }
0x3d: {  	s28 =	simm.s32 $0x480;
	s29 =	simm.s32 $0x600;
	[sflag:s26] =	ssyncadd.s32 $0xFFFFFFC0  }
0x3e: {  	[tilespmem:s29], [sflag:$0x1] =	stream.indirect.gather [hbm4b:s4+s23], $0x1, s28, s23, $0xb8;
	[tilespmem:$0x880] =	vst v63  }
0x3f: {  	_ =	swait.ge [sflag:s26], $0x40  }
0x40: {  	[sflag:s26] =	ssyncset.done $0x0  }
0x41: {  	s30 =	simm.s32 $0x500;
	s31 =	simm.s32 $0x680;
	[sflag:s26] =	ssyncadd.s32 $0xFFFFFFC0  }
0x42: {  	[tilespmem:s31], [sflag:$0x1] =	stream.indirect.gather [hbm4b:s4+s23], $0x1, s30, s23, $0xb8;
	[tilespmem:$0x880] =	vst v63  }
0x43: {  	_ =	swait.ge [sflag:s26], $0x40  }
0x44: {  	[sflag:s26] =	ssyncset.done $0x0  }
0x45: {  	[sflag:s26] =	ssyncadd.s32 $0xFFFFFFC0  }
0x46: {  	v7 =	vld [tilespmem:$0x100]  }
0x47: {  	s17 =	ssub.s32 $0x2, s17;
	s20 =	sshll.u32 s0, $0x9;
	v8 =	vld [tilespmem:$0x580]  }
0x48: {  	s21 =	sshrl.u32 s17, $0x1;
	s18 =	sor.u32 s18, s20;
	v6 =	vld [tilespmem:$0x230]  }
0x49: {  	s17 =	ssub.s32 s17, s21;
	s18 =	sshrl.u32 s18, $0x3;
	v9 =	vld [tilespmem:$0x180]  }
0x4a: {  	s1 =	sadd.s32 s18, s22;
	s22 =	smax.u32 s17, $0x1;
	v5 =	vld [tilespmem:$0x6B0]  }
0x4b: {  	p0 =	sne.s32 s22, $0x1;
	v4 =	vld [tilespmem:$0x680]  }
.Ltmp0:
0x4c: {  	v11 =	vld [tilespmem:$0x610];
	v10 =	vmul.f32 v8, v7;
	(pc) =	sbr.rel @!p0 .LBB2_2-.Ltmp0, $4  }
0x4d: {  	v7 =	vld [tilespmem:$0x630]  }
0x4e: {  	s21 =	simm.s32 $0x780;
	v8 =	vld [tilespmem:$0x590];
	v9 =	vsub.f32 v9, v10  }
0x4f: {  	s20 =	simm.s32 $0x800;
	s19 =	sadd.s32 $0x2000, s1;
	s18 =	sadd.s32 $0x2010, s1;
	v10 =	vld [tilespmem:$0x210]  }
0x50: {  	s17 =	sadd.s32 $0x2020, s1;
	s1 =	sadd.s32 $0xFFFFFFFF, s22;
	s22 =	simm.s32 $0x700;
	[tilespmem:$0x700] =	vst v9;
	v9 =	vld [tilespmem:$0x310]  }
.LBB2_1:
0x51: {  	v12 =	vld [tilespmem:$0x320]  }
0x52: {  	v13 =	vld [tilespmem:$0x2A0]  }
0x53: {  	v14 =	vld [tilespmem:$0x5A0]  }
0x54: {  	v15 =	vld [tilespmem:$0x1A0]  }
0x55: {  	v16 =	vld [tilespmem:$0x620]  }
0x56: {  	v17 =	vld [tilespmem:$0x120]  }
0x57: {  	v10 =	vmul.f32 v11, v10;
	v11 =	vld [tilespmem:$0x220]  }
0x58: {  	v18 =	vld [tilespmem:$0x6A0]  }
0x59: {  	v20 =	vld [tilespmem:$0x3A0]  }
0x5a: {  	v21 =	vld [tilespmem:$0x190]  }
0x5b: {  	v55 =	vld [tilespmem:$0x290]  }
0x5c: {  	v56 =	vld [tilespmem:$0x390];
	v11 =	vmul.f32 v16, v11  }
0x5d: {  	v57 =	vld [tilespmem:$0x690]  }
0x5e: {  	v58 =	vld [tilespmem:$0x130];
	v12 =	vmul.f32 v18, v12;
	v11 =	vsub.f32 v13, v11  }
0x5f: {  	v59 =	vld [tilespmem:$0x5B0]  }
0x60: {  	v60 =	vld [tilespmem:$0x110];
	[tilespmem:$0x7A0] =	vst v11;
	v11 =	vsub.f32 v20, v12  }
0x61: {  	v61 =	vld [tilespmem:$0x330]  }
0x62: {  	[tilespmem:$0x820] =	vst v11;
	v11 =	vld [tilespmem:$0x1B0]  }
0x63: {  	v62 =	vld [tilespmem:$0x3B0];
	v9 =	vmul.f32 v57, v9;
	v10 =	vsub.f32 v55, v10  }
0x64: {  	v63 =	vld [tilespmem:$0x300]  }
0x65: {  	v9 =	vsub.f32 v56, v9;
	[tilespmem:$0x790] =	vst v10;
	v10 =	vld [tilespmem:$0x2B0];
	v12 =	vmul.f32 v59, v58  }
0x66: {  	v6 =	vmul.f32 v7, v6;
	v7 =	vld [tilespmem:$0x600]  }
0x67: {  	v14 =	vmul.f32 v14, v17;
	[tilespmem:$0x810] =	vst v9;
	v9 =	vsub.f32 v11, v12;
	v11 =	vld [tilespmem:$0x200]  }
0x68: {  	v19 =	vld [tilespmem:$0x380]  }
0x69: {  	v8 =	vmul.f32 v8, v60;
	v14 =	vsub.f32 v15, v14;
	[tilespmem:$0x730] =	vst v9;
	v9 =	vld [tilespmem:$0x280]  }
0x6a: {  	v5 =	vmul.f32 v5, v61;
	v6 =	vsub.f32 v10, v6  }
0x6b: {  	v4 =	vmul.f32 v4, v63;
	v8 =	vsub.f32 v21, v8;
	[tilespmem:$0x720] =	vst v14  }
0x6c: {  	v5 =	vsub.f32 v62, v5;
	[tilespmem:$0x7B0] =	vst v6;
	v6 =	vmul.f32 v7, v11  }
0x6d: {  	v4 =	vsub.f32 v19, v4;
	[tilespmem:$0x710] =	vst v8  }
0x6e: {  	[tilespmem:$0x830] =	vst v5;
	v5 =	vsub.f32 v9, v6  }
0x6f: {  	[tilespmem:$0x800] =	vst v4  }
0x70: {  	[tilespmem:$0x780] =	vst v5  }
0x71: {  	[hbm4b:s19+s2] =	stream.linear.scatter [tilespmem:s22], [sflag:$0x2], $0x40, $0x38;
	[tilespmem:$0x880] =	vst v63  }
0x72: {  	_ =	swait.ge [sflag:s3], $0x40  }
0x73: {  	[sflag:s3] =	ssyncset.done $0x0  }
0x74: {  	[sflag:s3] =	ssyncadd.s32 $0xFFFFFFC0  }
0x75: {  	[hbm4b:s18+s2] =	stream.linear.scatter [tilespmem:s21], [sflag:$0x2], $0x40, $0x38;
	[tilespmem:$0x880] =	vst v63  }
0x76: {  	_ =	swait.ge [sflag:s3], $0x40  }
0x77: {  	[sflag:s3] =	ssyncset.done $0x0  }
0x78: {  	[sflag:s3] =	ssyncadd.s32 $0xFFFFFFC0  }
0x79: {  	[hbm4b:s17+s2] =	stream.linear.scatter [tilespmem:s20], [sflag:$0x2], $0x40, $0x38;
	[tilespmem:$0x880] =	vst v63  }
0x7a: {  	_ =	swait.ge [sflag:s3], $0x40  }
0x7b: {  	[sflag:s3] =	ssyncset.done $0x0  }
0x7c: {  	s0 =	rddreg [dreg:$0x3];
	[sflag:s3] =	ssyncadd.s32 $0xFFFFFFC0  }
0x7d: {  	[tilespmem:s2], [sflag:$0x2] =	stream.linear.gather [hbm4b:s0+s2], $0x40, $0x38;
	[tilespmem:$0x880] =	vst v63  }
0x7e: {  	_ =	swait.ge [sflag:s3], $0x40  }
0x7f: {  	[sflag:s3] =	ssyncset.done $0x0  }
0x80: {  	s0 =	rddreg [dreg:$0x4];
	[sflag:s3] =	ssyncadd.s32 $0xFFFFFFC0  }
0x81: {  	[tilespmem:s5], [sflag:$0x2] =	stream.linear.gather [hbm4b:s0+s2], $0x40, $0x38;
	[tilespmem:$0x880] =	vst v63  }
0x82: {  	_ =	swait.ge [sflag:s3], $0x40  }
0x83: {  	[sflag:s3] =	ssyncset.done $0x0  }
0x84: {  	s0 =	rddreg [dreg:$0x5];
	[sflag:s3] =	ssyncadd.s32 $0xFFFFFFC0  }
0x85: {  	[tilespmem:s6], [sflag:$0x2] =	stream.linear.gather [hbm4b:s0+s2], $0x40, $0x38;
	[tilespmem:$0x880] =	vst v63  }
0x86: {  	_ =	swait.ge [sflag:s3], $0x40  }
0x87: {  	[sflag:s3] =	ssyncset.done $0x0  }
0x88: {  	[sflag:s3] =	ssyncadd.s32 $0xFFFFFFC0  }
0x89: {  	[tilespmem:s8], [sflag:$0x2] =	stream.linear.gather [hbm4b:s7+s2], $0x40, $0x38;
	[tilespmem:$0x880] =	vst v63  }
0x8a: {  	_ =	swait.ge [sflag:s3], $0x40  }
0x8b: {  	[sflag:s3] =	ssyncset.done $0x0  }
0x8c: {  	[sflag:s3] =	ssyncadd.s32 $0xFFFFFFC0  }
0x8d: {  	[tilespmem:s10], [sflag:$0x2] =	stream.linear.gather [hbm4b:s9+s2], $0x40, $0x38;
	[tilespmem:$0x880] =	vst v63  }
0x8e: {  	_ =	swait.ge [sflag:s3], $0x40  }
0x8f: {  	[sflag:s3] =	ssyncset.done $0x0  }
0x90: {  	[sflag:s3] =	ssyncadd.s32 $0xFFFFFFC0  }
0x91: {  	[tilespmem:s12], [sflag:$0x2] =	stream.linear.gather [hbm4b:s11+s2], $0x40, $0x38;
	[tilespmem:$0x880] =	vst v63  }
0x92: {  	_ =	swait.ge [sflag:s3], $0x40  }
0x93: {  	[sflag:s3] =	ssyncset.done $0x0  }
0x94: {  	[sflag:s3] =	ssyncadd.s32 $0xFFFFFFC0  }
0x95: {  	[tilespmem:s14], [sflag:$0x2] =	stream.linear.gather [hbm4b:s13+s2], $0x40, $0x38;
	[tilespmem:$0x880] =	vst v63  }
0x96: {  	_ =	swait.ge [sflag:s3], $0x40  }
0x97: {  	[sflag:s3] =	ssyncset.done $0x0  }
0x98: {  	[sflag:s3] =	ssyncadd.s32 $0xFFFFFFC0  }
0x99: {  	[tilespmem:s16], [sflag:$0x2] =	stream.linear.gather [hbm4b:s15+s2], $0x40, $0x38;
	[tilespmem:$0x880] =	vst v63  }
0x9a: {  	_ =	swait.ge [sflag:s3], $0x40  }
0x9b: {  	[sflag:s3] =	ssyncset.done $0x0  }
0x9c: {  	[sflag:s3] =	ssyncadd.s32 $0xFFFFFFC0  }
0x9d: {  	v5 =	vld [tilespmem:$0x80]  }
0x9e: {  	v6 =	vld [tilespmem:$0x0]  }
0x9f: {  	v4 =	vld [tilespmem:$0x10];
	[tilespmem:$0x520] =	vst v0  }
0xa0: {  	[tilespmem:$0x530] =	vst v1;
	v7 =	vld [tilespmem:$0x20]  }
0xa1: {  	[tilespmem:$0x500] =	vst v2;
	v9 =	vld [tilespmem:$0x30]  }
0xa2: {  	[tilespmem:$0x510] =	vst v3;
	v10 =	vld [tilespmem:$0xB0];
	v5 =	vadd.s32 v2, v5  }
0xa3: {  	v8 =	vld [tilespmem:$0xA0];
	v6 =	vadd.s32 v2, v6;
	[tilespmem:$0x400] =	vst v5  }
0xa4: {  	v4 =	vadd.s32 v3, v4;
	v5 =	vld [tilespmem:$0x90];
	[tilespmem:$0x480] =	vst v6  }
0xa5: {  	v6 =	vadd.s32 v0, v7;
	[tilespmem:$0x490] =	vst v4  }
0xa6: {  	v4 =	vadd.s32 v1, v9;
	[tilespmem:$0x4A0] =	vst v6  }
0xa7: {  	[tilespmem:$0x4B0] =	vst v4;
	v4 =	vadd.s32 v1, v10  }
0xa8: {  	v6 =	vadd.s32 v0, v8;
	[tilespmem:$0x430] =	vst v4  }
0xa9: {  	[tilespmem:$0x420] =	vst v6;
	v5 =	vadd.s32 v3, v5  }
0xaa: {  	[tilespmem:$0x410] =	vst v5  }
0xab: {  	[tilespmem:s25], [sflag:$0x1] =	stream.indirect.gather [hbm4b:s4+s23], $0x1, s24, s23, $0xb8;
	[tilespmem:$0x880] =	vst v63  }
0xac: {  	_ =	swait.ge [sflag:s26], $0x40  }
0xad: {  	[sflag:s26] =	ssyncset.done $0x0  }
0xae: {  	[sflag:s26] =	ssyncadd.s32 $0xFFFFFFC0  }
0xaf: {  	[tilespmem:s29], [sflag:$0x1] =	stream.indirect.gather [hbm4b:s4+s23], $0x1, s28, s23, $0xb8;
	[tilespmem:$0x880] =	vst v63  }
0xb0: {  	_ =	swait.ge [sflag:s26], $0x40  }
0xb1: {  	[sflag:s26] =	ssyncset.done $0x0  }
0xb2: {  	[sflag:s26] =	ssyncadd.s32 $0xFFFFFFC0  }
0xb3: {  	[tilespmem:s31], [sflag:$0x1] =	stream.indirect.gather [hbm4b:s4+s23], $0x1, s30, s23, $0xb8;
	[tilespmem:$0x880] =	vst v63  }
0xb4: {  	_ =	swait.ge [sflag:s26], $0x40  }
0xb5: {  	[sflag:s26] =	ssyncset.done $0x0  }
0xb6: {  	[sflag:s26] =	ssyncadd.s32 $0xFFFFFFC0  }
0xb7: {  	v7 =	vld [tilespmem:$0x100]  }
0xb8: {  	v8 =	vld [tilespmem:$0x580]  }
0xb9: {  	v6 =	vld [tilespmem:$0x230]  }
0xba: {  	v9 =	vld [tilespmem:$0x180]  }
0xbb: {  	v5 =	vld [tilespmem:$0x6B0]  }
0xbc: {  	p0 =	sne.s32 s1, $0x1;
	v4 =	vld [tilespmem:$0x680]  }
.Ltmp1:
0xbd: {  	v11 =	vld [tilespmem:$0x610];
	v10 =	vmul.f32 v8, v7;
	(pc) =	sbr.rel @p0 .LBB2_1-.Ltmp1, $4  }
0xbe: {  	v7 =	vld [tilespmem:$0x630]  }
0xbf: {  	v8 =	vld [tilespmem:$0x590];
	v9 =	vsub.f32 v9, v10  }
0xc0: {  	v10 =	vld [tilespmem:$0x210]  }
0xc1: {  	s1 =	sadd.s32 $0xFFFFFFFF, s1;
	[tilespmem:$0x700] =	vst v9;
	v9 =	vld [tilespmem:$0x310]  }
.LBB2_2:
0xc2: {  	v0 =	vld [tilespmem:$0x320]  }
0xc3: {  	v1 =	vld [tilespmem:$0x2A0]  }
0xc4: {  	v2 =	vld [tilespmem:$0x5A0]  }
0xc5: {  	v3 =	vld [tilespmem:$0x220]  }
0xc6: {  	v12 =	vld [tilespmem:$0x1A0]  }
0xc7: {  	v13 =	vld [tilespmem:$0x620]  }
0xc8: {  	v14 =	vld [tilespmem:$0x120]  }
0xc9: {  	v15 =	vld [tilespmem:$0x6A0]  }
0xca: {  	v16 =	vld [tilespmem:$0x3A0]  }
0xcb: {  	v17 =	vld [tilespmem:$0x190]  }
0xcc: {  	v18 =	vld [tilespmem:$0x290]  }
0xcd: {  	v19 =	vld [tilespmem:$0x390]  }
0xce: {  	v20 =	vld [tilespmem:$0x690]  }
0xcf: {  	v21 =	vld [tilespmem:$0x130]  }
0xd0: {  	v22 =	vld [tilespmem:$0x5B0]  }
0xd1: {  	v23 =	vld [tilespmem:$0x110]  }
0xd2: {  	v24 =	vld [tilespmem:$0x1B0]  }
0xd3: {  	v48 =	vld [tilespmem:$0x330];
	v10 =	vmul.f32 v11, v10  }
0xd4: {  	v52 =	vld [tilespmem:$0x600];
	v3 =	vmul.f32 v13, v3  }
0xd5: {  	v54 =	vld [tilespmem:$0x200];
	v0 =	vmul.f32 v15, v0;
	v51 =	vsub.f32 v18, v10  }
0xd6: {  	v49 =	vld [tilespmem:$0x3B0];
	v2 =	vmul.f32 v2, v14;
	v1 =	vsub.f32 v1, v3  }
0xd7: {  	v58 =	vld [tilespmem:$0x280];
	v9 =	vmul.f32 v20, v9;
	v0 =	vsub.f32 v16, v0;
	[tilespmem:$0x790] =	vst v51  }
0xd8: {  	v50 =	vld [tilespmem:$0x300];
	v8 =	vmul.f32 v8, v23;
	v2 =	vsub.f32 v12, v2;
	[tilespmem:$0x7A0] =	vst v1  }
0xd9: {  	v47 =	vld [tilespmem:$0x2B0];
	v5 =	vmul.f32 v5, v48;
	v55 =	vsub.f32 v19, v9;
	[tilespmem:$0x820] =	vst v0  }
0xda: {  	v56 =	vld [tilespmem:$0x380];
	v62 =	vmul.f32 v52, v54;
	v59 =	vsub.f32 v17, v8;
	[tilespmem:$0x720] =	vst v2  }
0xdb: {  	v53 =	vmul.f32 v22, v21;
	v61 =	vsub.f32 v49, v5;
	[tilespmem:$0x810] =	vst v55  }
0xdc: {  	v57 =	vmul.f32 v7, v6;
	v63 =	vsub.f32 v58, v62;
	[tilespmem:$0x710] =	vst v59  }
0xdd: {  	v60 =	vmul.f32 v4, v50;
	v0 =	vsub.f32 v24, v53;
	[tilespmem:$0x830] =	vst v61  }
0xde: {  	v2 =	vsub.f32 v47, v57;
	[tilespmem:$0x780] =	vst v63  }
0xdf: {  	[tilespmem:$0x730] =	vst v0;
	v0 =	vsub.f32 v56, v60  }
0xe0: {  	[tilespmem:$0x7B0] =	vst v2  }
0xe1: {  	[tilespmem:$0x800] =	vst v0  }
0xe2: {  	[hbm4b:s19+s2] =	stream.linear.scatter [tilespmem:s22], [sflag:$0x2], $0x40, $0x38;
	[tilespmem:$0x880] =	vst v63  }
0xe3: {  	_ =	swait.ge [sflag:s3], $0x40  }
0xe4: {  	[sflag:s3] =	ssyncset.done $0x0  }
0xe5: {  	[sflag:s3] =	ssyncadd.s32 $0xFFFFFFC0  }
0xe6: {  	[hbm4b:s18+s2] =	stream.linear.scatter [tilespmem:s21], [sflag:$0x2], $0x40, $0x38;
	[tilespmem:$0x880] =	vst v63  }
0xe7: {  	_ =	swait.ge [sflag:s3], $0x40  }
0xe8: {  	[sflag:s3] =	ssyncset.done $0x0  }
0xe9: {  	[sflag:s3] =	ssyncadd.s32 $0xFFFFFFC0  }
0xea: {  	[hbm4b:s17+s2] =	stream.linear.scatter [tilespmem:s20], [sflag:$0x2], $0x40, $0x38;
	[tilespmem:$0x880] =	vst v63  }
0xeb: {  	_ =	swait.ge [sflag:s3], $0x40  }
0xec: {  	[sflag:s3] =	ssyncset.done $0x0  }
0xed: {  	[sflag:s3] =	ssyncadd.s32 $0xFFFFFFC0  }
0xee: {  	_ =	sfence.sel $0x180000  }
0xef: {  	[bflag:$0x0] =	sbarrier.arrive $0xFFFF  }
0xf0: {  	_ =	strace $0x90000047  }
0xf1: {  	s0 =	stileid.u32;
	[bflag:$0x2] =	sbarrier.arrive $0xFFFF  }
0xf2: {  	p0 =	sne.s32 s0, $0x0;
	s0 =	rddreg [dreg:$0x2]  }
0xf3: {  	s0 =	sadd.s32 @!p0 $0x100000, s0  }
0xf4: {  	[sflag:s0] =	ssyncadd.tile.s32 @!p0 $0x1;
	_ =	shalt  }
.Lfunc_end2:
_tile_overlayer_lowered:
.L_overlay_start_2:
0xf5: {  	(tag) =	ssettag $0x2  }
0xf6: {  	s0 =	rddreg [dreg:$0x0];
	s2 =	stileid.u32  }
0xf7: {  	s1 =	rddreg [dreg:$0x1];
	p0 =	sne.s32 s2, $0x0  }
0xf8: {  	s3 =	rddreg [dreg:$0x2];
	[bflag:$0x3] =	sbarrier.arrive $0xFFFF;
	s2 =	simm.s32 @!p0 $0x1C02  }
0xf9: {  	[timem:s3], [sflag:s2] =	dma.local @!p0 [hbm:s0], s1  }
0xfa: {  	s0 =	simm.s32 @!p0 $0x2  }
0xfb: {  	_ =	swait.ge @!p0 [sflag:s0], s1  }
0xfc: {  	s1 =	ssub.s32 @!p0 $0x0, s1;
	[sflag:s0] =	ssyncset.done @!p0 $0x0  }
0xfd: {  	[sflag:s0] =	ssyncadd.s32 @!p0 s1  }
0xfe: {  	[bflag:$0x3] =	sbarrier.arrive $0xFFFF  }
0xff: {  	_ =	shalt  }

</sc_bundles>
